<compile_context>
chip_gen: v7x
topology: tpu7x:2x2x1
jax: 0.10.2.dev20260603
libtpu: 0.0.44.dev20260713+nightly
codegen_flags: <defaults>
</compile_context>

<pallas_src>
import functools

import jax
import jax.numpy as jnp
from jax import lax
from jax.experimental import pallas as pl
from jax.experimental.pallas import tpu as pltpu
from jax.experimental.pallas import tpu_sc as plsc

N = 10000
E = 320000
D = 128
H = 16

NCORES = 2
NSUB = 16
NW = NCORES * NSUB
CH = 80
EPT = E // NW
NCHUNK = EPT // CH
NZ = 624

ROW_BLK = 2000



_mesh = plsc.VectorSubcoreMesh(core_axis_name="c", subcore_axis_name="s")


@functools.partial(
    pl.kernel,
    out_type=jax.ShapeDtypeStruct((NCORES, N, D), jnp.float32),
    mesh=_mesh,
    scratch_types=[
        pltpu.VMEM((EPT,), jnp.int32),
        pltpu.VMEM((NCHUNK, CH), jnp.int32),
        pltpu.VMEM((CH, D), jnp.float32),
        pltpu.VMEM((CH, D), jnp.float32),
        pltpu.VMEM_SHARED((N, D), jnp.float32),
        pltpu.SemaphoreType.DMA,
        pltpu.SemaphoreType.DMA,
    ],
)
def _edge_aggr(m_hbm, ei_hbm, dst_hbm, zeros_hbm, out_hbm,
               sidx_v, didx_v, buf0, buf1, aggr_sh, sem0, sem1):
    c = lax.axis_index("c")
    s = lax.axis_index("s")
    wid = c * NSUB + s

    pltpu.sync_copy(ei_hbm.at[pl.ds(wid * EPT, EPT)], sidx_v)
    pltpu.sync_copy(dst_hbm.at[wid], didx_v)
    pltpu.sync_copy(zeros_hbm.at[pl.ds(0, NZ)], aggr_sh.at[pl.ds(s * NZ, NZ)])

    @pl.when(s == NSUB - 1)
    def _():
        pltpu.sync_copy(zeros_hbm.at[pl.ds(NZ, N - NSUB * NZ)],
                        aggr_sh.at[pl.ds(NSUB * NZ, N - NSUB * NZ)])

    plsc.subcore_barrier()

    bufs = (buf0, buf1)
    sems = (sem0, sem1)
    pltpu.async_copy(m_hbm.at[sidx_v.at[pl.ds(0, CH)]], buf0, sem0)
    pltpu.async_copy(m_hbm.at[sidx_v.at[pl.ds(CH, CH)]], buf1, sem1)

    def body(t2, carry):
        for j in range(2):
            tt = t2 * 2 + j
            pltpu.make_async_copy(m_hbm.at[sidx_v.at[pl.ds(tt * CH, CH)]],
                                  bufs[j], sems[j]).wait()
            pltpu.sync_copy(bufs[j], aggr_sh.at[didx_v.at[tt]], add=True)
            nxt = tt + 2

            @pl.when(nxt < NCHUNK)
            def _():
                pltpu.async_copy(m_hbm.at[sidx_v.at[pl.ds(nxt * CH, CH)]],
                                 bufs[j], sems[j])
        return carry

    lax.fori_loop(0, NCHUNK // 2, body, 0)

    last = NCHUNK - 1
    pltpu.make_async_copy(m_hbm.at[sidx_v.at[pl.ds(last * CH, CH)]],
                          buf0, sem0).wait()
    pltpu.sync_copy(buf0, aggr_sh.at[didx_v.at[last]], add=True)

    plsc.subcore_barrier()
    pltpu.sync_copy(aggr_sh.at[pl.ds(s * NZ, NZ)],
                    out_hbm.at[c, pl.ds(s * NZ, NZ)])

    @pl.when(s == NSUB - 1)
    def _():
        pltpu.sync_copy(aggr_sh.at[pl.ds(NSUB * NZ, N - NSUB * NZ)],
                        out_hbm.at[c, pl.ds(NSUB * NZ, N - NSUB * NZ)])



def _msg_body(x_ref, w1, b1, w2, b2, o_ref):
    h = jnp.maximum(
        jnp.dot(x_ref[...], w1[...], preferred_element_type=jnp.float32)
        + b1[...], 0.0)
    m = jnp.maximum(
        jnp.dot(h, w2[...], preferred_element_type=jnp.float32) + b2[...], 0.0)
    o_ref[...] = m.astype(o_ref.dtype)


def _full(shape):
    return pl.BlockSpec(shape, lambda i: (0, 0))


def _node_msg(x, w1t, b1, w2t, b2):
    return pl.pallas_call(
        _msg_body,
        grid=(N // ROW_BLK,),
        in_specs=[
            pl.BlockSpec((ROW_BLK, D), lambda i: (i, 0)),
            _full((D, H)), _full((1, H)), _full((H, D)), _full((1, D)),
        ],
        out_specs=pl.BlockSpec((ROW_BLK, D), lambda i: (i, 0)),
        out_shape=jax.ShapeDtypeStruct((N, D), jnp.float32),
    )(x, w1t, b1, w2t, b2)


def _upd_body(p_ref, x_ref, u1a, u1b, ub1, u2t, ub2, o_ref):
    aggr = p_ref[0] + p_ref[1]
    h = jnp.maximum(
        jnp.dot(aggr, u1a[...], preferred_element_type=jnp.float32)
        + jnp.dot(x_ref[...], u1b[...], preferred_element_type=jnp.float32)
        + ub1[...], 0.0)
    o_ref[...] = jnp.maximum(
        jnp.dot(h, u2t[...], preferred_element_type=jnp.float32) + ub2[...],
        0.0)


def _upd_msg_body(p_ref, x_ref, u1a, u1b, ub1, u2t, ub2,
                  m1t, mb1, m2t, mb2, nx_ref, m_ref):
    _upd_body(p_ref, x_ref, u1a, u1b, ub1, u2t, ub2, nx_ref)
    _msg_body(nx_ref, m1t, mb1, m2t, mb2, m_ref)


def _pblk():
    return pl.BlockSpec((NCORES, ROW_BLK, D), lambda i: (0, i, 0))


def _update(partials, x, u1a, u1b, ub1, u2t, ub2):
    blk = pl.BlockSpec((ROW_BLK, D), lambda i: (i, 0))
    return pl.pallas_call(
        _upd_body,
        grid=(N // ROW_BLK,),
        in_specs=[_pblk(), blk,
                  _full((D, H)), _full((D, H)), _full((1, H)),
                  _full((H, D)), _full((1, D))],
        out_specs=blk,
        out_shape=jax.ShapeDtypeStruct((N, D), jnp.float32),
    )(partials, x, u1a, u1b, ub1, u2t, ub2)


def _update_msg(partials, x, u1a, u1b, ub1, u2t, ub2, m1t, mb1, m2t, mb2):
    blk = pl.BlockSpec((ROW_BLK, D), lambda i: (i, 0))
    return pl.pallas_call(
        _upd_msg_body,
        grid=(N // ROW_BLK,),
        in_specs=[_pblk(), blk,
                  _full((D, H)), _full((D, H)), _full((1, H)),
                  _full((H, D)), _full((1, D)),
                  _full((D, H)), _full((1, H)), _full((H, D)), _full((1, D))],
        out_specs=[blk, blk],
        out_shape=[jax.ShapeDtypeStruct((N, D), jnp.float32),
                   jax.ShapeDtypeStruct((N, D), jnp.float32)],
    )(partials, x, u1a, u1b, ub1, u2t, ub2, m1t, mb1, m2t, mb2)



def _prep_mlp(p):
    return (p['W1'].T, p['b1'].reshape(1, -1), p['W2'].T,
            p['b2'].reshape(1, -1))


def kernel(x, edge_index, params):
    ei = edge_index.astype(jnp.int32)
    src = ei.reshape(2 * E)
    dst = ei[1].reshape(NW, NCHUNK, CH)
    zeros = jnp.zeros((NZ + N - NSUB * NZ, D), jnp.float32)

    msg_w = [_prep_mlp(p['mlp']) for p in params]
    upd_w = []
    for p in params:
        u1t = p['update']['W1'].T
        upd_w.append((u1t[:D], u1t[D:], p['update']['b1'].reshape(1, -1),
                      p['update']['W2'].T, p['update']['b2'].reshape(1, -1)))

    m = _node_msg(x, *msg_w[0])
    for l in range(3):
        partials = _edge_aggr(m, src, dst, zeros)
        if l < 2:
            x, m = _update_msg(partials, x, *upd_w[l], *msg_w[l + 1])
        else:
            x = _update(partials, x, *upd_w[l])
    return x

# --- scband reference (transcript-rebuilt; emitter-appended) ---
"""Pipeline reference for scband-net-24515673326105 (READ-ONLY COPY).

The authoritative reference and input builder live on the scoring server;
editing this copy changes nothing except your own understanding.
"""

import jax, jax.numpy as jnp
import numpy as np

N = 10000
E = 320000
D = 128
H = 16


def _init_mlp(key, in_dim, out_dim, hid):
    k1, k2 = jax.random.split(key, 2)
    return {
        'W1': jax.random.normal(k1, (hid, in_dim), dtype=jnp.float32) / np.sqrt(in_dim),
        'b1': jnp.zeros((hid,), dtype=jnp.float32),
        'W2': jax.random.normal(k2, (out_dim, hid), dtype=jnp.float32) / np.sqrt(hid),
        'b2': jnp.zeros((out_dim,), dtype=jnp.float32),
    }


def setup_inputs(seed: int = 0) -> dict:
    key = jax.random.key(seed)
    kx, ke, kp = jax.random.split(key, 3)
    x = jax.random.normal(kx, (N, D), dtype=jnp.float32)
    edge_index = jax.random.randint(ke, (2, E), 0, N, dtype=jnp.int64 if jax.config.jax_enable_x64 else jnp.int32)
    params = []
    for i in range(3):
        k = jax.random.fold_in(kp, i)
        km, ku = jax.random.split(k, 2)
        params.append({
            'mlp': _init_mlp(km, D, D, H),
            'update': _init_mlp(ku, 2 * D, D, H),
        })
    return {'x': x, 'edge_index': edge_index, 'params': params}


def _mlp(p, x):
    h = jax.nn.relu(x @ p['W1'].T + p['b1'])
    return jax.nn.relu(h @ p['W2'].T + p['b2'])


def _msg_pass_layer(p, x, src, dst, n_nodes):
    # message: MLP applied to source-node features (gather)
    msg = _mlp(p['mlp'], x[src])
    # aggregate: scatter-add over destination nodes
    aggr = jax.ops.segment_sum(msg, dst, num_segments=n_nodes)
    # update: concat(aggr_out, x) -> MLP
    new_embedding = _mlp(p['update'], jnp.concatenate([aggr, x], axis=1))
    return new_embedding


def reference(x, edge_index, params):
    src = edge_index[0]
    dst = edge_index[1]
    n_nodes = x.shape[0]
    x = _msg_pass_layer(params[0], x, src, dst, n_nodes)
    x = jax.nn.relu(x)
    x = _msg_pass_layer(params[1], x, src, dst, n_nodes)
    x = jax.nn.relu(x)
    x = _msg_pass_layer(params[2], x, src, dst, n_nodes)
    return jax.nn.relu(x)

if __name__ == "__main__":
    import jax
    _d = setup_inputs()
    print(jax.jit(kernel)(*tuple(_d.values())))

</pallas_src>

<mosaic_0001>
#map = affine_map<(d0, d1) -> (0, 0)>
#map1 = affine_map<(d0, d1) -> (0)>
#map2 = affine_map<(d0, d1) -> (0, 0, 0)>
module attributes {stable_mosaic.version = 14 : i64} {
  func.func @_edge_aggr(%arg0: i32, %arg1: i32, %arg2: memref<10000x128xf32, #tpu.memory_space<hbm>>, %arg3: memref<640000xi32, #tpu.memory_space<hbm>>, %arg4: memref<32x125x80xi32, #tpu.memory_space<hbm>>, %arg5: memref<640x128xf32, #tpu.memory_space<hbm>>, %arg6: memref<2x10000x128xf32, #tpu.memory_space<hbm>>, %arg7: memref<10000xi32, #tpu.memory_space<vmem>>, %arg8: memref<125x80xi32, #tpu.memory_space<vmem>>, %arg9: memref<80x128xf32, #tpu.memory_space<vmem>>, %arg10: memref<80x128xf32, #tpu.memory_space<vmem>>, %arg11: memref<10000x128xf32, #tpu.memory_space<vmem_shared>>, %arg12: memref<!tpu.dma_semaphore, #tpu.memory_space<semaphore_mem>>, %arg13: memref<!tpu.dma_semaphore, #tpu.memory_space<semaphore_mem>>) attributes {dimension_semantics = [#tpu.dimension_semantics<core_parallel>, #tpu.dimension_semantics<subcore_parallel>], iteration_bounds = array<i64: 2, 16>, scalar_prefetch = 0 : i64, scratch_operands = 7 : i64, tpu.core_type = #tpu.core_type<sc_vector_subcore>, window_params = [{transform_indices = #map}, {transform_indices = #map1}, {transform_indices = #map2}, {transform_indices = #map}, {transform_indices = #map2}]} {
    %mul3A = arith.constant 16 : i32
    %mul3A_0 = arith.muli %arg0, %mul3A : i32
    %add3A = arith.addi %mul3A_0, %arg1 : i32
    %mul3A_1 = arith.constant 10000 : i32
    %mul3A_2 = arith.muli %add3A, %mul3A_1 : i32
    "tpu.region"() ({
      %run_scoped3A_35 = tpu.sem_alloc : memref<!tpu.dma_semaphore, #tpu.memory_space<semaphore_mem>>
      %dma_start3A_36 = tpu.memref_slice %arg3[%mul3A_2] : memref<640000xi32, #tpu.memory_space<hbm>> -> memref<10000xi32, #tpu.memory_space<hbm>>
      %dma_start3A_37 = tpu.memref_slice %arg3[%mul3A_2] : memref<640000xi32, #tpu.memory_space<hbm>> -> memref<10000xi32, #tpu.memory_space<hbm>>
      tpu.enqueue_dma source(%dma_start3A_37 : memref<10000xi32, #tpu.memory_space<hbm>>) target(%arg7 : memref<10000xi32, #tpu.memory_space<vmem>>) target_semaphore(%run_scoped3A_35 : memref<!tpu.dma_semaphore, #tpu.memory_space<semaphore_mem>>)
      %dma_wait3A_38 = tpu.memref_slice %arg3[%mul3A_2] : memref<640000xi32, #tpu.memory_space<hbm>> -> memref<10000xi32, #tpu.memory_space<hbm>>
      %dma_wait3A_39 = tpu.memref_slice %arg3[%mul3A_2] : memref<640000xi32, #tpu.memory_space<hbm>> -> memref<10000xi32, #tpu.memory_space<hbm>>
      tpu.wait_dma2 semaphore(%run_scoped3A_35 : memref<!tpu.dma_semaphore, #tpu.memory_space<semaphore_mem>>) src(%dma_wait3A_39 : memref<10000xi32, #tpu.memory_space<hbm>>) dst(%arg7 : memref<10000xi32, #tpu.memory_space<vmem>>)
      tpu.yield
    }) : () -> ()
    "tpu.region"() ({
      %run_scoped3A_35 = tpu.sem_alloc : memref<!tpu.dma_semaphore, #tpu.memory_space<semaphore_mem>>
      %dma_start3A_36 = arith.constant 0 : i32
      %dma_start3A_37 = arith.constant 0 : i32
      %dma_start3A_38 = tpu.memref_slice %arg4[%add3A, %dma_start3A_36, %dma_start3A_37] : memref<32x125x80xi32, #tpu.memory_space<hbm>> -> memref<1x125x80xi32, #tpu.memory_space<hbm>>
      %dma_start3A_39 = tpu.memref_squeeze %dma_start3A_38 : memref<1x125x80xi32, #tpu.memory_space<hbm>> -> memref<125x80xi32, #tpu.memory_space<hbm>>
      %dma_start3A_40 = arith.constant 0 : i32
      %dma_start3A_41 = arith.constant 0 : i32
      %dma_start3A_42 = tpu.memref_slice %arg4[%add3A, %dma_start3A_40, %dma_start3A_41] : memref<32x125x80xi32, #tpu.memory_space<hbm>> -> memref<1x125x80xi32, #tpu.memory_space<hbm>>
      %dma_start3A_43 = tpu.memref_squeeze %dma_start3A_42 : memref<1x125x80xi32, #tpu.memory_space<hbm>> -> memref<125x80xi32, #tpu.memory_space<hbm>>
      tpu.enqueue_dma source(%dma_start3A_43 : memref<125x80xi32, #tpu.memory_space<hbm>>) target(%arg8 : memref<125x80xi32, #tpu.memory_space<vmem>>) target_semaphore(%run_scoped3A_35 : memref<!tpu.dma_semaphore, #tpu.memory_space<semaphore_mem>>)
      %dma_wait3A_44 = arith.constant 0 : i32
      %dma_wait3A_45 = arith.constant 0 : i32
      %dma_wait3A_46 = tpu.memref_slice %arg4[%add3A, %dma_wait3A_44, %dma_wait3A_45] : memref<32x125x80xi32, #tpu.memory_space<hbm>> -> memref<1x125x80xi32, #tpu.memory_space<hbm>>
      %dma_wait3A_47 = tpu.memref_squeeze %dma_wait3A_46 : memref<1x125x80xi32, #tpu.memory_space<hbm>> -> memref<125x80xi32, #tpu.memory_space<hbm>>
      %dma_wait3A_48 = arith.constant 0 : i32
      %dma_wait3A_49 = arith.constant 0 : i32
      %dma_wait3A_50 = tpu.memref_slice %arg4[%add3A, %dma_wait3A_48, %dma_wait3A_49] : memref<32x125x80xi32, #tpu.memory_space<hbm>> -> memref<1x125x80xi32, #tpu.memory_space<hbm>>
      %dma_wait3A_51 = tpu.memref_squeeze %dma_wait3A_50 : memref<1x125x80xi32, #tpu.memory_space<hbm>> -> memref<125x80xi32, #tpu.memory_space<hbm>>
      tpu.wait_dma2 semaphore(%run_scoped3A_35 : memref<!tpu.dma_semaphore, #tpu.memory_space<semaphore_mem>>) src(%dma_wait3A_51 : memref<125x80xi32, #tpu.memory_space<hbm>>) dst(%arg8 : memref<125x80xi32, #tpu.memory_space<vmem>>)
      tpu.yield
    }) : () -> ()
    %mul3A_3 = arith.constant 624 : i32
    %mul3A_4 = arith.muli %arg1, %mul3A_3 : i32
    "tpu.region"() ({
      %run_scoped3A_35 = tpu.sem_alloc : memref<!tpu.dma_semaphore, #tpu.memory_space<semaphore_mem>>
      %dma_start3A_36 = arith.constant 0 : i32
      %dma_start3A_37 = tpu.memref_slice %arg11[%mul3A_4, %dma_start3A_36] : memref<10000x128xf32, #tpu.memory_space<vmem_shared>> -> memref<624x128xf32, #tpu.memory_space<vmem_shared>>
      %dma_start3A_38 = arith.constant 0 : i32
      %dma_start3A_39 = arith.constant 0 : i32
      %dma_start3A_40 = tpu.memref_slice %arg5[%dma_start3A_38, %dma_start3A_39] : memref<640x128xf32, #tpu.memory_space<hbm>> -> memref<624x128xf32, #tpu.memory_space<hbm>>
      tpu.enqueue_dma source(%dma_start3A_40 : memref<624x128xf32, #tpu.memory_space<hbm>>) target(%dma_start3A_37 : memref<624x128xf32, #tpu.memory_space<vmem_shared>>) target_semaphore(%run_scoped3A_35 : memref<!tpu.dma_semaphore, #tpu.memory_space<semaphore_mem>>)
      %dma_wait3A_41 = arith.constant 0 : i32
      %dma_wait3A_42 = tpu.memref_slice %arg11[%mul3A_4, %dma_wait3A_41] : memref<10000x128xf32, #tpu.memory_space<vmem_shared>> -> memref<624x128xf32, #tpu.memory_space<vmem_shared>>
      %dma_wait3A_43 = arith.constant 0 : i32
      %dma_wait3A_44 = arith.constant 0 : i32
      %dma_wait3A_45 = tpu.memref_slice %arg5[%dma_wait3A_43, %dma_wait3A_44] : memref<640x128xf32, #tpu.memory_space<hbm>> -> memref<624x128xf32, #tpu.memory_space<hbm>>
      tpu.wait_dma2 semaphore(%run_scoped3A_35 : memref<!tpu.dma_semaphore, #tpu.memory_space<semaphore_mem>>) src(%dma_wait3A_45 : memref<624x128xf32, #tpu.memory_space<hbm>>) dst(%dma_wait3A_42 : memref<624x128xf32, #tpu.memory_space<vmem_shared>>)
      tpu.yield
    }) : () -> ()
    %eq3A = arith.constant 15 : i32
    %eq3A_5 = arith.cmpi eq, %arg1, %eq3A : i32
    %convert_element_type3A = arith.extui %eq3A_5 : i1 to i32
    %cond3A = arith.constant 0 : i32
    %cond3A_6 = arith.cmpi ne, %convert_element_type3A, %cond3A : i32
    scf.if %cond3A_6 {
      "tpu.region"() ({
        %run_scoped3A_35 = tpu.sem_alloc : memref<!tpu.dma_semaphore, #tpu.memory_space<semaphore_mem>>
        %dma_start3A_36 = arith.constant 9984 : i32
        %dma_start3A_37 = arith.constant 0 : i32
        %dma_start3A_38 = tpu.memref_slice %arg11[%dma_start3A_36, %dma_start3A_37] : memref<10000x128xf32, #tpu.memory_space<vmem_shared>> -> memref<16x128xf32, #tpu.memory_space<vmem_shared>>
        %dma_start3A_39 = arith.constant 624 : i32
        %dma_start3A_40 = arith.constant 0 : i32
        %dma_start3A_41 = tpu.memref_slice %arg5[%dma_start3A_39, %dma_start3A_40] : memref<640x128xf32, #tpu.memory_space<hbm>> -> memref<16x128xf32, #tpu.memory_space<hbm>>
        tpu.enqueue_dma source(%dma_start3A_41 : memref<16x128xf32, #tpu.memory_space<hbm>>) target(%dma_start3A_38 : memref<16x128xf32, #tpu.memory_space<vmem_shared>>) target_semaphore(%run_scoped3A_35 : memref<!tpu.dma_semaphore, #tpu.memory_space<semaphore_mem>>)
        %dma_wait3A_42 = arith.constant 9984 : i32
        %dma_wait3A_43 = arith.constant 0 : i32
        %dma_wait3A_44 = tpu.memref_slice %arg11[%dma_wait3A_42, %dma_wait3A_43] : memref<10000x128xf32, #tpu.memory_space<vmem_shared>> -> memref<16x128xf32, #tpu.memory_space<vmem_shared>>
        %dma_wait3A_45 = arith.constant 624 : i32
        %dma_wait3A_46 = arith.constant 0 : i32
        %dma_wait3A_47 = tpu.memref_slice %arg5[%dma_wait3A_45, %dma_wait3A_46] : memref<640x128xf32, #tpu.memory_space<hbm>> -> memref<16x128xf32, #tpu.memory_space<hbm>>
        tpu.wait_dma2 semaphore(%run_scoped3A_35 : memref<!tpu.dma_semaphore, #tpu.memory_space<semaphore_mem>>) src(%dma_wait3A_47 : memref<16x128xf32, #tpu.memory_space<hbm>>) dst(%dma_wait3A_44 : memref<16x128xf32, #tpu.memory_space<vmem_shared>>)
        tpu.yield
      }) : () -> ()
    } else {
    }
    %barrier3A = arith.constant 0 : index
    tpu.barrier barrier_id(%barrier3A)
    %dma_start3A = arith.constant 0 : i32
    %dma_start3A_7 = tpu.memref_slice %arg7[%dma_start3A] : memref<10000xi32, #tpu.memory_space<vmem>> -> memref<80xi32, #tpu.memory_space<vmem>>
    %dma_start3A_8 = arith.constant 0 : i32
    %dma_start3A_9 = arith.constant 0 : i32
    %dma_start3A_10 = tpu.memref_slice %arg2[%dma_start3A_8, %dma_start3A_9] : memref<10000x128xf32, #tpu.memory_space<hbm>> -> memref<10000x128xf32, #tpu.memory_space<hbm>>
    tpu.enqueue_indirect_dma source(%dma_start3A_10 : memref<10000x128xf32, #tpu.memory_space<hbm>>) target(%arg9 : memref<80x128xf32, #tpu.memory_space<vmem>>) offsets(%dma_start3A_7 : memref<80xi32, #tpu.memory_space<vmem>>) semaphore(%arg12 : memref<!tpu.dma_semaphore, #tpu.memory_space<semaphore_mem>>)
    %dma_start3A_11 = arith.constant 80 : i32
    %dma_start3A_12 = tpu.memref_slice %arg7[%dma_start3A_11] : memref<10000xi32, #tpu.memory_space<vmem>> -> memref<80xi32, #tpu.memory_space<vmem>>
    %dma_start3A_13 = arith.constant 0 : i32
    %dma_start3A_14 = arith.constant 0 : i32
    %dma_start3A_15 = tpu.memref_slice %arg2[%dma_start3A_13, %dma_start3A_14] : memref<10000x128xf32, #tpu.memory_space<hbm>> -> memref<10000x128xf32, #tpu.memory_space<hbm>>
    tpu.enqueue_indirect_dma source(%dma_start3A_15 : memref<10000x128xf32, #tpu.memory_space<hbm>>) target(%arg10 : memref<80x128xf32, #tpu.memory_space<vmem>>) offsets(%dma_start3A_12 : memref<80xi32, #tpu.memory_space<vmem>>) semaphore(%arg13 : memref<!tpu.dma_semaphore, #tpu.memory_space<semaphore_mem>>)
    %scan3A = arith.constant 0 : i32
    %scan3A_16 = arith.constant 0 : i32
    %scan3A_17 = arith.constant 62 : i32
    %scan3A_18 = arith.addi %scan3A_16, %scan3A_17 : i32
    %scan3A_19 = arith.constant 1 : i32
    scf.for %scan3A_35 = %scan3A_16 to %scan3A_18 step %scan3A_19  : i32 {
      %mul3A_36 = arith.constant 2 : i32
      %mul3A_37 = arith.muli %scan3A_35, %mul3A_36 : i32
      %add3A_38 = arith.constant 0 : i32
      %add3A_39 = arith.addi %mul3A_37, %add3A_38 : i32
      %mul3A_40 = arith.constant 80 : i32
      %mul3A_41 = arith.muli %add3A_39, %mul3A_40 : i32
      %dma_wait3A_42 = tpu.memref_slice %arg7[%mul3A_41] : memref<10000xi32, #tpu.memory_space<vmem>> -> memref<80xi32, #tpu.memory_space<vmem>>
      %dma_wait3A_43 = arith.constant 0 : i32
      %dma_wait3A_44 = arith.constant 0 : i32
      %dma_wait3A_45 = tpu.memref_slice %arg2[%dma_wait3A_43, %dma_wait3A_44] : memref<10000x128xf32, #tpu.memory_space<hbm>> -> memref<10000x128xf32, #tpu.memory_space<hbm>>
      tpu.wait_indirect_dma semaphore(%arg12 : memref<!tpu.dma_semaphore, #tpu.memory_space<semaphore_mem>>) src(%dma_wait3A_45 : memref<10000x128xf32, #tpu.memory_space<hbm>>) dst(%arg9 : memref<80x128xf32, #tpu.memory_space<vmem>>)
      "tpu.region"() ({
        %run_scoped3A_69 = tpu.sem_alloc : memref<!tpu.dma_semaphore, #tpu.memory_space<semaphore_mem>>
        %dma_start3A_70 = arith.constant 0 : i32
        %dma_start3A_71 = tpu.memref_slice %arg8[%add3A_39, %dma_start3A_70] : memref<125x80xi32, #tpu.memory_space<vmem>> -> memref<1x80xi32, #tpu.memory_space<vmem>>
        %dma_start3A_72 = tpu.memref_squeeze %dma_start3A_71 : memref<1x80xi32, #tpu.memory_space<vmem>> -> memref<80xi32, #tpu.memory_space<vmem>>
        %dma_start3A_73 = arith.constant 0 : i32
        %dma_start3A_74 = arith.constant 0 : i32
        %dma_start3A_75 = tpu.memref_slice %arg11[%dma_start3A_73, %dma_start3A_74] : memref<10000x128xf32, #tpu.memory_space<vmem_shared>> -> memref<10000x128xf32, #tpu.memory_space<vmem_shared>>
        tpu.enqueue_indirect_dma source(%arg9 : memref<80x128xf32, #tpu.memory_space<vmem>>) target(%dma_start3A_75 : memref<10000x128xf32, #tpu.memory_space<vmem_shared>>) offsets(%dma_start3A_72 : memref<80xi32, #tpu.memory_space<vmem>>) semaphore(%run_scoped3A_69 : memref<!tpu.dma_semaphore, #tpu.memory_space<semaphore_mem>>) {add = true}
        %dma_wait3A_76 = arith.constant 0 : i32
        %dma_wait3A_77 = tpu.memref_slice %arg8[%add3A_39, %dma_wait3A_76] : memref<125x80xi32, #tpu.memory_space<vmem>> -> memref<1x80xi32, #tpu.memory_space<vmem>>
        %dma_wait3A_78 = tpu.memref_squeeze %dma_wait3A_77 : memref<1x80xi32, #tpu.memory_space<vmem>> -> memref<80xi32, #tpu.memory_space<vmem>>
        %dma_wait3A_79 = arith.constant 0 : i32
        %dma_wait3A_80 = arith.constant 0 : i32
        %dma_wait3A_81 = tpu.memref_slice %arg11[%dma_wait3A_79, %dma_wait3A_80] : memref<10000x128xf32, #tpu.memory_space<vmem_shared>> -> memref<10000x128xf32, #tpu.memory_space<vmem_shared>>
        tpu.wait_indirect_dma semaphore(%run_scoped3A_69 : memref<!tpu.dma_semaphore, #tpu.memory_space<semaphore_mem>>) src(%arg9 : memref<80x128xf32, #tpu.memory_space<vmem>>) dst(%dma_wait3A_81 : memref<10000x128xf32, #tpu.memory_space<vmem_shared>>)
        tpu.yield
      }) : () -> ()
      %add3A_46 = arith.constant 2 : i32
      %add3A_47 = arith.addi %add3A_39, %add3A_46 : i32
      %lt3A = arith.constant 125 : i32
      %lt3A_48 = arith.cmpi slt, %add3A_47, %lt3A : i32
      %convert_element_type3A_49 = arith.extui %lt3A_48 : i1 to i32
      %cond3A_50 = arith.constant 0 : i32
      %cond3A_51 = arith.cmpi ne, %convert_element_type3A_49, %cond3A_50 : i32
      scf.if %cond3A_51 {
        %mul3A_69 = arith.constant 80 : i32
        %mul3A_70 = arith.muli %add3A_47, %mul3A_69 : i32
        %dma_start3A_71 = tpu.memref_slice %arg7[%mul3A_70] : memref<10000xi32, #tpu.memory_space<vmem>> -> memref<80xi32, #tpu.memory_space<vmem>>
        %dma_start3A_72 = arith.constant 0 : i32
        %dma_start3A_73 = arith.constant 0 : i32
        %dma_start3A_74 = tpu.memref_slice %arg2[%dma_start3A_72, %dma_start3A_73] : memref<10000x128xf32, #tpu.memory_space<hbm>> -> memref<10000x128xf32, #tpu.memory_space<hbm>>
        tpu.enqueue_indirect_dma source(%dma_start3A_74 : memref<10000x128xf32, #tpu.memory_space<hbm>>) target(%arg9 : memref<80x128xf32, #tpu.memory_space<vmem>>) offsets(%dma_start3A_71 : memref<80xi32, #tpu.memory_space<vmem>>) semaphore(%arg12 : memref<!tpu.dma_semaphore, #tpu.memory_space<semaphore_mem>>)
      } else {
      }
      %mul3A_52 = arith.constant 2 : i32
      %mul3A_53 = arith.muli %scan3A_35, %mul3A_52 : i32
      %add3A_54 = arith.constant 1 : i32
      %add3A_55 = arith.addi %mul3A_53, %add3A_54 : i32
      %mul3A_56 = arith.constant 80 : i32
      %mul3A_57 = arith.muli %add3A_55, %mul3A_56 : i32
      %dma_wait3A_58 = tpu.memref_slice %arg7[%mul3A_57] : memref<10000xi32, #tpu.memory_space<vmem>> -> memref<80xi32, #tpu.memory_space<vmem>>
      %dma_wait3A_59 = arith.constant 0 : i32
      %dma_wait3A_60 = arith.constant 0 : i32
      %dma_wait3A_61 = tpu.memref_slice %arg2[%dma_wait3A_59, %dma_wait3A_60] : memref<10000x128xf32, #tpu.memory_space<hbm>> -> memref<10000x128xf32, #tpu.memory_space<hbm>>
      tpu.wait_indirect_dma semaphore(%arg13 : memref<!tpu.dma_semaphore, #tpu.memory_space<semaphore_mem>>) src(%dma_wait3A_61 : memref<10000x128xf32, #tpu.memory_space<hbm>>) dst(%arg10 : memref<80x128xf32, #tpu.memory_space<vmem>>)
      "tpu.region"() ({
        %run_scoped3A_69 = tpu.sem_alloc : memref<!tpu.dma_semaphore, #tpu.memory_space<semaphore_mem>>
        %dma_start3A_70 = arith.constant 0 : i32
        %dma_start3A_71 = tpu.memref_slice %arg8[%add3A_55, %dma_start3A_70] : memref<125x80xi32, #tpu.memory_space<vmem>> -> memref<1x80xi32, #tpu.memory_space<vmem>>
        %dma_start3A_72 = tpu.memref_squeeze %dma_start3A_71 : memref<1x80xi32, #tpu.memory_space<vmem>> -> memref<80xi32, #tpu.memory_space<vmem>>
        %dma_start3A_73 = arith.constant 0 : i32
        %dma_start3A_74 = arith.constant 0 : i32
        %dma_start3A_75 = tpu.memref_slice %arg11[%dma_start3A_73, %dma_start3A_74] : memref<10000x128xf32, #tpu.memory_space<vmem_shared>> -> memref<10000x128xf32, #tpu.memory_space<vmem_shared>>
        tpu.enqueue_indirect_dma source(%arg10 : memref<80x128xf32, #tpu.memory_space<vmem>>) target(%dma_start3A_75 : memref<10000x128xf32, #tpu.memory_space<vmem_shared>>) offsets(%dma_start3A_72 : memref<80xi32, #tpu.memory_space<vmem>>) semaphore(%run_scoped3A_69 : memref<!tpu.dma_semaphore, #tpu.memory_space<semaphore_mem>>) {add = true}
        %dma_wait3A_76 = arith.constant 0 : i32
        %dma_wait3A_77 = tpu.memref_slice %arg8[%add3A_55, %dma_wait3A_76] : memref<125x80xi32, #tpu.memory_space<vmem>> -> memref<1x80xi32, #tpu.memory_space<vmem>>
        %dma_wait3A_78 = tpu.memref_squeeze %dma_wait3A_77 : memref<1x80xi32, #tpu.memory_space<vmem>> -> memref<80xi32, #tpu.memory_space<vmem>>
        %dma_wait3A_79 = arith.constant 0 : i32
        %dma_wait3A_80 = arith.constant 0 : i32
        %dma_wait3A_81 = tpu.memref_slice %arg11[%dma_wait3A_79, %dma_wait3A_80] : memref<10000x128xf32, #tpu.memory_space<vmem_shared>> -> memref<10000x128xf32, #tpu.memory_space<vmem_shared>>
        tpu.wait_indirect_dma semaphore(%run_scoped3A_69 : memref<!tpu.dma_semaphore, #tpu.memory_space<semaphore_mem>>) src(%arg10 : memref<80x128xf32, #tpu.memory_space<vmem>>) dst(%dma_wait3A_81 : memref<10000x128xf32, #tpu.memory_space<vmem_shared>>)
        tpu.yield
      }) : () -> ()
      %add3A_62 = arith.constant 2 : i32
      %add3A_63 = arith.addi %add3A_55, %add3A_62 : i32
      %lt3A_64 = arith.constant 125 : i32
      %lt3A_65 = arith.cmpi slt, %add3A_63, %lt3A_64 : i32
      %convert_element_type3A_66 = arith.extui %lt3A_65 : i1 to i32
      %cond3A_67 = arith.constant 0 : i32
      %cond3A_68 = arith.cmpi ne, %convert_element_type3A_66, %cond3A_67 : i32
      scf.if %cond3A_68 {
        %mul3A_69 = arith.constant 80 : i32
        %mul3A_70 = arith.muli %add3A_63, %mul3A_69 : i32
        %dma_start3A_71 = tpu.memref_slice %arg7[%mul3A_70] : memref<10000xi32, #tpu.memory_space<vmem>> -> memref<80xi32, #tpu.memory_space<vmem>>
        %dma_start3A_72 = arith.constant 0 : i32
        %dma_start3A_73 = arith.constant 0 : i32
        %dma_start3A_74 = tpu.memref_slice %arg2[%dma_start3A_72, %dma_start3A_73] : memref<10000x128xf32, #tpu.memory_space<hbm>> -> memref<10000x128xf32, #tpu.memory_space<hbm>>
        tpu.enqueue_indirect_dma source(%dma_start3A_74 : memref<10000x128xf32, #tpu.memory_space<hbm>>) target(%arg10 : memref<80x128xf32, #tpu.memory_space<vmem>>) offsets(%dma_start3A_71 : memref<80xi32, #tpu.memory_space<vmem>>) semaphore(%arg13 : memref<!tpu.dma_semaphore, #tpu.memory_space<semaphore_mem>>)
      } else {
      }
    }
    %scan3A_20 = arith.constant 62 : i32
    %dma_wait3A = arith.constant 9920 : i32
    %dma_wait3A_21 = tpu.memref_slice %arg7[%dma_wait3A] : memref<10000xi32, #tpu.memory_space<vmem>> -> memref<80xi32, #tpu.memory_space<vmem>>
    %dma_wait3A_22 = arith.constant 0 : i32
    %dma_wait3A_23 = arith.constant 0 : i32
    %dma_wait3A_24 = tpu.memref_slice %arg2[%dma_wait3A_22, %dma_wait3A_23] : memref<10000x128xf32, #tpu.memory_space<hbm>> -> memref<10000x128xf32, #tpu.memory_space<hbm>>
    tpu.wait_indirect_dma semaphore(%arg12 : memref<!tpu.dma_semaphore, #tpu.memory_space<semaphore_mem>>) src(%dma_wait3A_24 : memref<10000x128xf32, #tpu.memory_space<hbm>>) dst(%arg9 : memref<80x128xf32, #tpu.memory_space<vmem>>)
    %run_scoped3A = arith.constant 124 : i32
    "tpu.region"() ({
      %run_scoped3A_35 = tpu.sem_alloc : memref<!tpu.dma_semaphore, #tpu.memory_space<semaphore_mem>>
      %dma_start3A_36 = arith.constant 0 : i32
      %dma_start3A_37 = tpu.memref_slice %arg8[%run_scoped3A, %dma_start3A_36] : memref<125x80xi32, #tpu.memory_space<vmem>> -> memref<1x80xi32, #tpu.memory_space<vmem>>
      %dma_start3A_38 = tpu.memref_squeeze %dma_start3A_37 : memref<1x80xi32, #tpu.memory_space<vmem>> -> memref<80xi32, #tpu.memory_space<vmem>>
      %dma_start3A_39 = arith.constant 0 : i32
      %dma_start3A_40 = arith.constant 0 : i32
      %dma_start3A_41 = tpu.memref_slice %arg11[%dma_start3A_39, %dma_start3A_40] : memref<10000x128xf32, #tpu.memory_space<vmem_shared>> -> memref<10000x128xf32, #tpu.memory_space<vmem_shared>>
      tpu.enqueue_indirect_dma source(%arg9 : memref<80x128xf32, #tpu.memory_space<vmem>>) target(%dma_start3A_41 : memref<10000x128xf32, #tpu.memory_space<vmem_shared>>) offsets(%dma_start3A_38 : memref<80xi32, #tpu.memory_space<vmem>>) semaphore(%run_scoped3A_35 : memref<!tpu.dma_semaphore, #tpu.memory_space<semaphore_mem>>) {add = true}
      %dma_wait3A_42 = arith.constant 0 : i32
      %dma_wait3A_43 = tpu.memref_slice %arg8[%run_scoped3A, %dma_wait3A_42] : memref<125x80xi32, #tpu.memory_space<vmem>> -> memref<1x80xi32, #tpu.memory_space<vmem>>
      %dma_wait3A_44 = tpu.memref_squeeze %dma_wait3A_43 : memref<1x80xi32, #tpu.memory_space<vmem>> -> memref<80xi32, #tpu.memory_space<vmem>>
      %dma_wait3A_45 = arith.constant 0 : i32
      %dma_wait3A_46 = arith.constant 0 : i32
      %dma_wait3A_47 = tpu.memref_slice %arg11[%dma_wait3A_45, %dma_wait3A_46] : memref<10000x128xf32, #tpu.memory_space<vmem_shared>> -> memref<10000x128xf32, #tpu.memory_space<vmem_shared>>
      tpu.wait_indirect_dma semaphore(%run_scoped3A_35 : memref<!tpu.dma_semaphore, #tpu.memory_space<semaphore_mem>>) src(%arg9 : memref<80x128xf32, #tpu.memory_space<vmem>>) dst(%dma_wait3A_47 : memref<10000x128xf32, #tpu.memory_space<vmem_shared>>)
      tpu.yield
    }) : () -> ()
    %barrier3A_25 = arith.constant 0 : index
    tpu.barrier barrier_id(%barrier3A_25)
    %mul3A_26 = arith.constant 624 : i32
    %mul3A_27 = arith.muli %arg1, %mul3A_26 : i32
    %mul3A_28 = arith.constant 624 : i32
    %mul3A_29 = arith.muli %arg1, %mul3A_28 : i32
    "tpu.region"() ({
      %run_scoped3A_35 = tpu.sem_alloc : memref<!tpu.dma_semaphore, #tpu.memory_space<semaphore_mem>>
      %dma_start3A_36 = arith.constant 0 : i32
      %dma_start3A_37 = tpu.memref_slice %arg6[%arg0, %mul3A_29, %dma_start3A_36] : memref<2x10000x128xf32, #tpu.memory_space<hbm>> -> memref<1x624x128xf32, #tpu.memory_space<hbm>>
      %dma_start3A_38 = tpu.memref_squeeze %dma_start3A_37 : memref<1x624x128xf32, #tpu.memory_space<hbm>> -> memref<624x128xf32, #tpu.memory_space<hbm>>
      %dma_start3A_39 = arith.constant 0 : i32
      %dma_start3A_40 = tpu.memref_slice %arg11[%mul3A_27, %dma_start3A_39] : memref<10000x128xf32, #tpu.memory_space<vmem_shared>> -> memref<624x128xf32, #tpu.memory_space<vmem_shared>>
      tpu.enqueue_dma source(%dma_start3A_40 : memref<624x128xf32, #tpu.memory_space<vmem_shared>>) target(%dma_start3A_38 : memref<624x128xf32, #tpu.memory_space<hbm>>) target_semaphore(%run_scoped3A_35 : memref<!tpu.dma_semaphore, #tpu.memory_space<semaphore_mem>>)
      %dma_wait3A_41 = arith.constant 0 : i32
      %dma_wait3A_42 = tpu.memref_slice %arg6[%arg0, %mul3A_29, %dma_wait3A_41] : memref<2x10000x128xf32, #tpu.memory_space<hbm>> -> memref<1x624x128xf32, #tpu.memory_space<hbm>>
      %dma_wait3A_43 = tpu.memref_squeeze %dma_wait3A_42 : memref<1x624x128xf32, #tpu.memory_space<hbm>> -> memref<624x128xf32, #tpu.memory_space<hbm>>
      %dma_wait3A_44 = arith.constant 0 : i32
      %dma_wait3A_45 = tpu.memref_slice %arg11[%mul3A_27, %dma_wait3A_44] : memref<10000x128xf32, #tpu.memory_space<vmem_shared>> -> memref<624x128xf32, #tpu.memory_space<vmem_shared>>
      tpu.wait_dma2 semaphore(%run_scoped3A_35 : memref<!tpu.dma_semaphore, #tpu.memory_space<semaphore_mem>>) src(%dma_wait3A_45 : memref<624x128xf32, #tpu.memory_space<vmem_shared>>) dst(%dma_wait3A_43 : memref<624x128xf32, #tpu.memory_space<hbm>>)
      tpu.yield
    }) : () -> ()
    %eq3A_30 = arith.constant 15 : i32
    %eq3A_31 = arith.cmpi eq, %arg1, %eq3A_30 : i32
    %convert_element_type3A_32 = arith.extui %eq3A_31 : i1 to i32
    %cond3A_33 = arith.constant 0 : i32
    %cond3A_34 = arith.cmpi ne, %convert_element_type3A_32, %cond3A_33 : i32
    scf.if %cond3A_34 {
      "tpu.region"() ({
        %run_scoped3A_35 = tpu.sem_alloc : memref<!tpu.dma_semaphore, #tpu.memory_space<semaphore_mem>>
        %dma_start3A_36 = arith.constant 9984 : i32
        %dma_start3A_37 = arith.constant 0 : i32
        %dma_start3A_38 = tpu.memref_slice %arg6[%arg0, %dma_start3A_36, %dma_start3A_37] : memref<2x10000x128xf32, #tpu.memory_space<hbm>> -> memref<1x16x128xf32, #tpu.memory_space<hbm>>
        %dma_start3A_39 = tpu.memref_squeeze %dma_start3A_38 : memref<1x16x128xf32, #tpu.memory_space<hbm>> -> memref<16x128xf32, #tpu.memory_space<hbm>>
        %dma_start3A_40 = arith.constant 9984 : i32
        %dma_start3A_41 = arith.constant 0 : i32
        %dma_start3A_42 = tpu.memref_slice %arg11[%dma_start3A_40, %dma_start3A_41] : memref<10000x128xf32, #tpu.memory_space<vmem_shared>> -> memref<16x128xf32, #tpu.memory_space<vmem_shared>>
        tpu.enqueue_dma source(%dma_start3A_42 : memref<16x128xf32, #tpu.memory_space<vmem_shared>>) target(%dma_start3A_39 : memref<16x128xf32, #tpu.memory_space<hbm>>) target_semaphore(%run_scoped3A_35 : memref<!tpu.dma_semaphore, #tpu.memory_space<semaphore_mem>>)
        %dma_wait3A_43 = arith.constant 9984 : i32
        %dma_wait3A_44 = arith.constant 0 : i32
        %dma_wait3A_45 = tpu.memref_slice %arg6[%arg0, %dma_wait3A_43, %dma_wait3A_44] : memref<2x10000x128xf32, #tpu.memory_space<hbm>> -> memref<1x16x128xf32, #tpu.memory_space<hbm>>
        %dma_wait3A_46 = tpu.memref_squeeze %dma_wait3A_45 : memref<1x16x128xf32, #tpu.memory_space<hbm>> -> memref<16x128xf32, #tpu.memory_space<hbm>>
        %dma_wait3A_47 = arith.constant 9984 : i32
        %dma_wait3A_48 = arith.constant 0 : i32
        %dma_wait3A_49 = tpu.memref_slice %arg11[%dma_wait3A_47, %dma_wait3A_48] : memref<10000x128xf32, #tpu.memory_space<vmem_shared>> -> memref<16x128xf32, #tpu.memory_space<vmem_shared>>
        tpu.wait_dma2 semaphore(%run_scoped3A_35 : memref<!tpu.dma_semaphore, #tpu.memory_space<semaphore_mem>>) src(%dma_wait3A_49 : memref<16x128xf32, #tpu.memory_space<vmem_shared>>) dst(%dma_wait3A_46 : memref<16x128xf32, #tpu.memory_space<hbm>>)
        tpu.yield
      }) : () -> ()
    } else {
    }
    return
  }
}

#map = affine_map<(d0, d1) -> (0, 0)>
#map1 = affine_map<(d0, d1) -> (0)>
#map2 = affine_map<(d0, d1) -> (0, 0, 0)>
module attributes {stable_mosaic.version = 14 : i64} {
  func.func @_edge_aggr(%arg0: i32, %arg1: i32, %arg2: memref<10000x128xf32, #tpu.memory_space<hbm>>, %arg3: memref<640000xi32, #tpu.memory_space<hbm>>, %arg4: memref<32x125x80xi32, #tpu.memory_space<hbm>>, %arg5: memref<640x128xf32, #tpu.memory_space<hbm>>, %arg6: memref<2x10000x128xf32, #tpu.memory_space<hbm>>, %arg7: memref<10000xi32, #tpu.memory_space<vmem>>, %arg8: memref<125x80xi32, #tpu.memory_space<vmem>>, %arg9: memref<80x128xf32, #tpu.memory_space<vmem>>, %arg10: memref<80x128xf32, #tpu.memory_space<vmem>>, %arg11: memref<10000x128xf32, #tpu.memory_space<vmem_shared>>, %arg12: memref<!tpu.dma_semaphore, #tpu.memory_space<semaphore_mem>>, %arg13: memref<!tpu.dma_semaphore, #tpu.memory_space<semaphore_mem>>) attributes {dimension_semantics = [#tpu.dimension_semantics<core_parallel>, #tpu.dimension_semantics<subcore_parallel>], iteration_bounds = array<i64: 2, 16>, scalar_prefetch = 0 : i64, scratch_operands = 7 : i64, tpu.core_type = #tpu.core_type<sc_vector_subcore>, window_params = [{transform_indices = #map}, {transform_indices = #map1}, {transform_indices = #map2}, {transform_indices = #map}, {transform_indices = #map2}]} {
    %mul3A = arith.constant 16 : i32
    %mul3A_0 = arith.muli %arg0, %mul3A : i32
    %add3A = arith.addi %mul3A_0, %arg1 : i32
    %mul3A_1 = arith.constant 10000 : i32
    %mul3A_2 = arith.muli %add3A, %mul3A_1 : i32
    "tpu.region"() ({
      %run_scoped3A_35 = tpu.sem_alloc : memref<!tpu.dma_semaphore, #tpu.memory_space<semaphore_mem>>
      %dma_start3A_36 = tpu.memref_slice %arg3[%mul3A_2] : memref<640000xi32, #tpu.memory_space<hbm>> -> memref<10000xi32, #tpu.memory_space<hbm>>
      %dma_start3A_37 = tpu.memref_slice %arg3[%mul3A_2] : memref<640000xi32, #tpu.memory_space<hbm>> -> memref<10000xi32, #tpu.memory_space<hbm>>
      tpu.enqueue_dma source(%dma_start3A_37 : memref<10000xi32, #tpu.memory_space<hbm>>) target(%arg7 : memref<10000xi32, #tpu.memory_space<vmem>>) target_semaphore(%run_scoped3A_35 : memref<!tpu.dma_semaphore, #tpu.memory_space<semaphore_mem>>)
      %dma_wait3A_38 = tpu.memref_slice %arg3[%mul3A_2] : memref<640000xi32, #tpu.memory_space<hbm>> -> memref<10000xi32, #tpu.memory_space<hbm>>
      %dma_wait3A_39 = tpu.memref_slice %arg3[%mul3A_2] : memref<640000xi32, #tpu.memory_space<hbm>> -> memref<10000xi32, #tpu.memory_space<hbm>>
      tpu.wait_dma2 semaphore(%run_scoped3A_35 : memref<!tpu.dma_semaphore, #tpu.memory_space<semaphore_mem>>) src(%dma_wait3A_39 : memref<10000xi32, #tpu.memory_space<hbm>>) dst(%arg7 : memref<10000xi32, #tpu.memory_space<vmem>>)
      tpu.yield
    }) : () -> ()
    "tpu.region"() ({
      %run_scoped3A_35 = tpu.sem_alloc : memref<!tpu.dma_semaphore, #tpu.memory_space<semaphore_mem>>
      %dma_start3A_36 = arith.constant 0 : i32
      %dma_start3A_37 = arith.constant 0 : i32
      %dma_start3A_38 = tpu.memref_slice %arg4[%add3A, %dma_start3A_36, %dma_start3A_37] : memref<32x125x80xi32, #tpu.memory_space<hbm>> -> memref<1x125x80xi32, #tpu.memory_space<hbm>>
      %dma_start3A_39 = tpu.memref_squeeze %dma_start3A_38 : memref<1x125x80xi32, #tpu.memory_space<hbm>> -> memref<125x80xi32, #tpu.memory_space<hbm>>
      %dma_start3A_40 = arith.constant 0 : i32
      %dma_start3A_41 = arith.constant 0 : i32
      %dma_start3A_42 = tpu.memref_slice %arg4[%add3A, %dma_start3A_40, %dma_start3A_41] : memref<32x125x80xi32, #tpu.memory_space<hbm>> -> memref<1x125x80xi32, #tpu.memory_space<hbm>>
      %dma_start3A_43 = tpu.memref_squeeze %dma_start3A_42 : memref<1x125x80xi32, #tpu.memory_space<hbm>> -> memref<125x80xi32, #tpu.memory_space<hbm>>
      tpu.enqueue_dma source(%dma_start3A_43 : memref<125x80xi32, #tpu.memory_space<hbm>>) target(%arg8 : memref<125x80xi32, #tpu.memory_space<vmem>>) target_semaphore(%run_scoped3A_35 : memref<!tpu.dma_semaphore, #tpu.memory_space<semaphore_mem>>)
      %dma_wait3A_44 = arith.constant 0 : i32
      %dma_wait3A_45 = arith.constant 0 : i32
      %dma_wait3A_46 = tpu.memref_slice %arg4[%add3A, %dma_wait3A_44, %dma_wait3A_45] : memref<32x125x80xi32, #tpu.memory_space<hbm>> -> memref<1x125x80xi32, #tpu.memory_space<hbm>>
      %dma_wait3A_47 = tpu.memref_squeeze %dma_wait3A_46 : memref<1x125x80xi32, #tpu.memory_space<hbm>> -> memref<125x80xi32, #tpu.memory_space<hbm>>
      %dma_wait3A_48 = arith.constant 0 : i32
      %dma_wait3A_49 = arith.constant 0 : i32
      %dma_wait3A_50 = tpu.memref_slice %arg4[%add3A, %dma_wait3A_48, %dma_wait3A_49] : memref<32x125x80xi32, #tpu.memory_space<hbm>> -> memref<1x125x80xi32, #tpu.memory_space<hbm>>
      %dma_wait3A_51 = tpu.memref_squeeze %dma_wait3A_50 : memref<1x125x80xi32, #tpu.memory_space<hbm>> -> memref<125x80xi32, #tpu.memory_space<hbm>>
      tpu.wait_dma2 semaphore(%run_scoped3A_35 : memref<!tpu.dma_semaphore, #tpu.memory_space<semaphore_mem>>) src(%dma_wait3A_51 : memref<125x80xi32, #tpu.memory_space<hbm>>) dst(%arg8 : memref<125x80xi32, #tpu.memory_space<vmem>>)
      tpu.yield
    }) : () -> ()
    %mul3A_3 = arith.constant 624 : i32
    %mul3A_4 = arith.muli %arg1, %mul3A_3 : i32
    "tpu.region"() ({
      %run_scoped3A_35 = tpu.sem_alloc : memref<!tpu.dma_semaphore, #tpu.memory_space<semaphore_mem>>
      %dma_start3A_36 = arith.constant 0 : i32
      %dma_start3A_37 = tpu.memref_slice %arg11[%mul3A_4, %dma_start3A_36] : memref<10000x128xf32, #tpu.memory_space<vmem_shared>> -> memref<624x128xf32, #tpu.memory_space<vmem_shared>>
      %dma_start3A_38 = arith.constant 0 : i32
      %dma_start3A_39 = arith.constant 0 : i32
      %dma_start3A_40 = tpu.memref_slice %arg5[%dma_start3A_38, %dma_start3A_39] : memref<640x128xf32, #tpu.memory_space<hbm>> -> memref<624x128xf32, #tpu.memory_space<hbm>>
      tpu.enqueue_dma source(%dma_start3A_40 : memref<624x128xf32, #tpu.memory_space<hbm>>) target(%dma_start3A_37 : memref<624x128xf32, #tpu.memory_space<vmem_shared>>) target_semaphore(%run_scoped3A_35 : memref<!tpu.dma_semaphore, #tpu.memory_space<semaphore_mem>>)
      %dma_wait3A_41 = arith.constant 0 : i32
      %dma_wait3A_42 = tpu.memref_slice %arg11[%mul3A_4, %dma_wait3A_41] : memref<10000x128xf32, #tpu.memory_space<vmem_shared>> -> memref<624x128xf32, #tpu.memory_space<vmem_shared>>
      %dma_wait3A_43 = arith.constant 0 : i32
      %dma_wait3A_44 = arith.constant 0 : i32
      %dma_wait3A_45 = tpu.memref_slice %arg5[%dma_wait3A_43, %dma_wait3A_44] : memref<640x128xf32, #tpu.memory_space<hbm>> -> memref<624x128xf32, #tpu.memory_space<hbm>>
      tpu.wait_dma2 semaphore(%run_scoped3A_35 : memref<!tpu.dma_semaphore, #tpu.memory_space<semaphore_mem>>) src(%dma_wait3A_45 : memref<624x128xf32, #tpu.memory_space<hbm>>) dst(%dma_wait3A_42 : memref<624x128xf32, #tpu.memory_space<vmem_shared>>)
      tpu.yield
    }) : () -> ()
    %eq3A = arith.constant 15 : i32
    %eq3A_5 = arith.cmpi eq, %arg1, %eq3A : i32
    %convert_element_type3A = arith.extui %eq3A_5 : i1 to i32
    %cond3A = arith.constant 0 : i32
    %cond3A_6 = arith.cmpi ne, %convert_element_type3A, %cond3A : i32
    scf.if %cond3A_6 {
      "tpu.region"() ({
        %run_scoped3A_35 = tpu.sem_alloc : memref<!tpu.dma_semaphore, #tpu.memory_space<semaphore_mem>>
        %dma_start3A_36 = arith.constant 9984 : i32
        %dma_start3A_37 = arith.constant 0 : i32
        %dma_start3A_38 = tpu.memref_slice %arg11[%dma_start3A_36, %dma_start3A_37] : memref<10000x128xf32, #tpu.memory_space<vmem_shared>> -> memref<16x128xf32, #tpu.memory_space<vmem_shared>>
        %dma_start3A_39 = arith.constant 624 : i32
        %dma_start3A_40 = arith.constant 0 : i32
        %dma_start3A_41 = tpu.memref_slice %arg5[%dma_start3A_39, %dma_start3A_40] : memref<640x128xf32, #tpu.memory_space<hbm>> -> memref<16x128xf32, #tpu.memory_space<hbm>>
        tpu.enqueue_dma source(%dma_start3A_41 : memref<16x128xf32, #tpu.memory_space<hbm>>) target(%dma_start3A_38 : memref<16x128xf32, #tpu.memory_space<vmem_shared>>) target_semaphore(%run_scoped3A_35 : memref<!tpu.dma_semaphore, #tpu.memory_space<semaphore_mem>>)
        %dma_wait3A_42 = arith.constant 9984 : i32
        %dma_wait3A_43 = arith.constant 0 : i32
        %dma_wait3A_44 = tpu.memref_slice %arg11[%dma_wait3A_42, %dma_wait3A_43] : memref<10000x128xf32, #tpu.memory_space<vmem_shared>> -> memref<16x128xf32, #tpu.memory_space<vmem_shared>>
        %dma_wait3A_45 = arith.constant 624 : i32
        %dma_wait3A_46 = arith.constant 0 : i32
        %dma_wait3A_47 = tpu.memref_slice %arg5[%dma_wait3A_45, %dma_wait3A_46] : memref<640x128xf32, #tpu.memory_space<hbm>> -> memref<16x128xf32, #tpu.memory_space<hbm>>
        tpu.wait_dma2 semaphore(%run_scoped3A_35 : memref<!tpu.dma_semaphore, #tpu.memory_space<semaphore_mem>>) src(%dma_wait3A_47 : memref<16x128xf32, #tpu.memory_space<hbm>>) dst(%dma_wait3A_44 : memref<16x128xf32, #tpu.memory_space<vmem_shared>>)
        tpu.yield
      }) : () -> ()
    } else {
    }
    %barrier3A = arith.constant 0 : index
    tpu.barrier barrier_id(%barrier3A)
    %dma_start3A = arith.constant 0 : i32
    %dma_start3A_7 = tpu.memref_slice %arg7[%dma_start3A] : memref<10000xi32, #tpu.memory_space<vmem>> -> memref<80xi32, #tpu.memory_space<vmem>>
    %dma_start3A_8 = arith.constant 0 : i32
    %dma_start3A_9 = arith.constant 0 : i32
    %dma_start3A_10 = tpu.memref_slice %arg2[%dma_start3A_8, %dma_start3A_9] : memref<10000x128xf32, #tpu.memory_space<hbm>> -> memref<10000x128xf32, #tpu.memory_space<hbm>>
    tpu.enqueue_indirect_dma source(%dma_start3A_10 : memref<10000x128xf32, #tpu.memory_space<hbm>>) target(%arg9 : memref<80x128xf32, #tpu.memory_space<vmem>>) offsets(%dma_start3A_7 : memref<80xi32, #tpu.memory_space<vmem>>) semaphore(%arg12 : memref<!tpu.dma_semaphore, #tpu.memory_space<semaphore_mem>>)
    %dma_start3A_11 = arith.constant 80 : i32
    %dma_start3A_12 = tpu.memref_slice %arg7[%dma_start3A_11] : memref<10000xi32, #tpu.memory_space<vmem>> -> memref<80xi32, #tpu.memory_space<vmem>>
    %dma_start3A_13 = arith.constant 0 : i32
    %dma_start3A_14 = arith.constant 0 : i32
    %dma_start3A_15 = tpu.memref_slice %arg2[%dma_start3A_13, %dma_start3A_14] : memref<10000x128xf32, #tpu.memory_space<hbm>> -> memref<10000x128xf32, #tpu.memory_space<hbm>>
    tpu.enqueue_indirect_dma source(%dma_start3A_15 : memref<10000x128xf32, #tpu.memory_space<hbm>>) target(%arg10 : memref<80x128xf32, #tpu.memory_space<vmem>>) offsets(%dma_start3A_12 : memref<80xi32, #tpu.memory_space<vmem>>) semaphore(%arg13 : memref<!tpu.dma_semaphore, #tpu.memory_space<semaphore_mem>>)
    %scan3A = arith.constant 0 : i32
    %scan3A_16 = arith.constant 0 : i32
    %scan3A_17 = arith.constant 62 : i32
    %scan3A_18 = arith.addi %scan3A_16, %scan3A_17 : i32
    %scan3A_19 = arith.constant 1 : i32
    scf.for %scan3A_35 = %scan3A_16 to %scan3A_18 step %scan3A_19  : i32 {
      %mul3A_36 = arith.constant 2 : i32
      %mul3A_37 = arith.muli %scan3A_35, %mul3A_36 : i32
      %add3A_38 = arith.constant 0 : i32
      %add3A_39 = arith.addi %mul3A_37, %add3A_38 : i32
      %mul3A_40 = arith.constant 80 : i32
      %mul3A_41 = arith.muli %add3A_39, %mul3A_40 : i32
      %dma_wait3A_42 = tpu.memref_slice %arg7[%mul3A_41] : memref<10000xi32, #tpu.memory_space<vmem>> -> memref<80xi32, #tpu.memory_space<vmem>>
      %dma_wait3A_43 = arith.constant 0 : i32
      %dma_wait3A_44 = arith.constant 0 : i32
      %dma_wait3A_45 = tpu.memref_slice %arg2[%dma_wait3A_43, %dma_wait3A_44] : memref<10000x128xf32, #tpu.memory_space<hbm>> -> memref<10000x128xf32, #tpu.memory_space<hbm>>
      tpu.wait_indirect_dma semaphore(%arg12 : memref<!tpu.dma_semaphore, #tpu.memory_space<semaphore_mem>>) src(%dma_wait3A_45 : memref<10000x128xf32, #tpu.memory_space<hbm>>) dst(%arg9 : memref<80x128xf32, #tpu.memory_space<vmem>>)
      "tpu.region"() ({
        %run_scoped3A_69 = tpu.sem_alloc : memref<!tpu.dma_semaphore, #tpu.memory_space<semaphore_mem>>
        %dma_start3A_70 = arith.constant 0 : i32
        %dma_start3A_71 = tpu.memref_slice %arg8[%add3A_39, %dma_start3A_70] : memref<125x80xi32, #tpu.memory_space<vmem>> -> memref<1x80xi32, #tpu.memory_space<vmem>>
        %dma_start3A_72 = tpu.memref_squeeze %dma_start3A_71 : memref<1x80xi32, #tpu.memory_space<vmem>> -> memref<80xi32, #tpu.memory_space<vmem>>
        %dma_start3A_73 = arith.constant 0 : i32
        %dma_start3A_74 = arith.constant 0 : i32
        %dma_start3A_75 = tpu.memref_slice %arg11[%dma_start3A_73, %dma_start3A_74] : memref<10000x128xf32, #tpu.memory_space<vmem_shared>> -> memref<10000x128xf32, #tpu.memory_space<vmem_shared>>
        tpu.enqueue_indirect_dma source(%arg9 : memref<80x128xf32, #tpu.memory_space<vmem>>) target(%dma_start3A_75 : memref<10000x128xf32, #tpu.memory_space<vmem_shared>>) offsets(%dma_start3A_72 : memref<80xi32, #tpu.memory_space<vmem>>) semaphore(%run_scoped3A_69 : memref<!tpu.dma_semaphore, #tpu.memory_space<semaphore_mem>>) {add = true}
        %dma_wait3A_76 = arith.constant 0 : i32
        %dma_wait3A_77 = tpu.memref_slice %arg8[%add3A_39, %dma_wait3A_76] : memref<125x80xi32, #tpu.memory_space<vmem>> -> memref<1x80xi32, #tpu.memory_space<vmem>>
        %dma_wait3A_78 = tpu.memref_squeeze %dma_wait3A_77 : memref<1x80xi32, #tpu.memory_space<vmem>> -> memref<80xi32, #tpu.memory_space<vmem>>
        %dma_wait3A_79 = arith.constant 0 : i32
        %dma_wait3A_80 = arith.constant 0 : i32
        %dma_wait3A_81 = tpu.memref_slice %arg11[%dma_wait3A_79, %dma_wait3A_80] : memref<10000x128xf32, #tpu.memory_space<vmem_shared>> -> memref<10000x128xf32, #tpu.memory_space<vmem_shared>>
        tpu.wait_indirect_dma semaphore(%run_scoped3A_69 : memref<!tpu.dma_semaphore, #tpu.memory_space<semaphore_mem>>) src(%arg9 : memref<80x128xf32, #tpu.memory_space<vmem>>) dst(%dma_wait3A_81 : memref<10000x128xf32, #tpu.memory_space<vmem_shared>>)
        tpu.yield
      }) : () -> ()
      %add3A_46 = arith.constant 2 : i32
      %add3A_47 = arith.addi %add3A_39, %add3A_46 : i32
      %lt3A = arith.constant 125 : i32
      %lt3A_48 = arith.cmpi slt, %add3A_47, %lt3A : i32
      %convert_element_type3A_49 = arith.extui %lt3A_48 : i1 to i32
      %cond3A_50 = arith.constant 0 : i32
      %cond3A_51 = arith.cmpi ne, %convert_element_type3A_49, %cond3A_50 : i32
      scf.if %cond3A_51 {
        %mul3A_69 = arith.constant 80 : i32
        %mul3A_70 = arith.muli %add3A_47, %mul3A_69 : i32
        %dma_start3A_71 = tpu.memref_slice %arg7[%mul3A_70] : memref<10000xi32, #tpu.memory_space<vmem>> -> memref<80xi32, #tpu.memory_space<vmem>>
        %dma_start3A_72 = arith.constant 0 : i32
        %dma_start3A_73 = arith.constant 0 : i32
        %dma_start3A_74 = tpu.memref_slice %arg2[%dma_start3A_72, %dma_start3A_73] : memref<10000x128xf32, #tpu.memory_space<hbm>> -> memref<10000x128xf32, #tpu.memory_space<hbm>>
        tpu.enqueue_indirect_dma source(%dma_start3A_74 : memref<10000x128xf32, #tpu.memory_space<hbm>>) target(%arg9 : memref<80x128xf32, #tpu.memory_space<vmem>>) offsets(%dma_start3A_71 : memref<80xi32, #tpu.memory_space<vmem>>) semaphore(%arg12 : memref<!tpu.dma_semaphore, #tpu.memory_space<semaphore_mem>>)
      } else {
      }
      %mul3A_52 = arith.constant 2 : i32
      %mul3A_53 = arith.muli %scan3A_35, %mul3A_52 : i32
      %add3A_54 = arith.constant 1 : i32
      %add3A_55 = arith.addi %mul3A_53, %add3A_54 : i32
      %mul3A_56 = arith.constant 80 : i32
      %mul3A_57 = arith.muli %add3A_55, %mul3A_56 : i32
      %dma_wait3A_58 = tpu.memref_slice %arg7[%mul3A_57] : memref<10000xi32, #tpu.memory_space<vmem>> -> memref<80xi32, #tpu.memory_space<vmem>>
      %dma_wait3A_59 = arith.constant 0 : i32
      %dma_wait3A_60 = arith.constant 0 : i32
      %dma_wait3A_61 = tpu.memref_slice %arg2[%dma_wait3A_59, %dma_wait3A_60] : memref<10000x128xf32, #tpu.memory_space<hbm>> -> memref<10000x128xf32, #tpu.memory_space<hbm>>
      tpu.wait_indirect_dma semaphore(%arg13 : memref<!tpu.dma_semaphore, #tpu.memory_space<semaphore_mem>>) src(%dma_wait3A_61 : memref<10000x128xf32, #tpu.memory_space<hbm>>) dst(%arg10 : memref<80x128xf32, #tpu.memory_space<vmem>>)
      "tpu.region"() ({
        %run_scoped3A_69 = tpu.sem_alloc : memref<!tpu.dma_semaphore, #tpu.memory_space<semaphore_mem>>
        %dma_start3A_70 = arith.constant 0 : i32
        %dma_start3A_71 = tpu.memref_slice %arg8[%add3A_55, %dma_start3A_70] : memref<125x80xi32, #tpu.memory_space<vmem>> -> memref<1x80xi32, #tpu.memory_space<vmem>>
        %dma_start3A_72 = tpu.memref_squeeze %dma_start3A_71 : memref<1x80xi32, #tpu.memory_space<vmem>> -> memref<80xi32, #tpu.memory_space<vmem>>
        %dma_start3A_73 = arith.constant 0 : i32
        %dma_start3A_74 = arith.constant 0 : i32
        %dma_start3A_75 = tpu.memref_slice %arg11[%dma_start3A_73, %dma_start3A_74] : memref<10000x128xf32, #tpu.memory_space<vmem_shared>> -> memref<10000x128xf32, #tpu.memory_space<vmem_shared>>
        tpu.enqueue_indirect_dma source(%arg10 : memref<80x128xf32, #tpu.memory_space<vmem>>) target(%dma_start3A_75 : memref<10000x128xf32, #tpu.memory_space<vmem_shared>>) offsets(%dma_start3A_72 : memref<80xi32, #tpu.memory_space<vmem>>) semaphore(%run_scoped3A_69 : memref<!tpu.dma_semaphore, #tpu.memory_space<semaphore_mem>>) {add = true}
        %dma_wait3A_76 = arith.constant 0 : i32
        %dma_wait3A_77 = tpu.memref_slice %arg8[%add3A_55, %dma_wait3A_76] : memref<125x80xi32, #tpu.memory_space<vmem>> -> memref<1x80xi32, #tpu.memory_space<vmem>>
        %dma_wait3A_78 = tpu.memref_squeeze %dma_wait3A_77 : memref<1x80xi32, #tpu.memory_space<vmem>> -> memref<80xi32, #tpu.memory_space<vmem>>
        %dma_wait3A_79 = arith.constant 0 : i32
        %dma_wait3A_80 = arith.constant 0 : i32
        %dma_wait3A_81 = tpu.memref_slice %arg11[%dma_wait3A_79, %dma_wait3A_80] : memref<10000x128xf32, #tpu.memory_space<vmem_shared>> -> memref<10000x128xf32, #tpu.memory_space<vmem_shared>>
        tpu.wait_indirect_dma semaphore(%run_scoped3A_69 : memref<!tpu.dma_semaphore, #tpu.memory_space<semaphore_mem>>) src(%arg10 : memref<80x128xf32, #tpu.memory_space<vmem>>) dst(%dma_wait3A_81 : memref<10000x128xf32, #tpu.memory_space<vmem_shared>>)
        tpu.yield
      }) : () -> ()
      %add3A_62 = arith.constant 2 : i32
      %add3A_63 = arith.addi %add3A_55, %add3A_62 : i32
      %lt3A_64 = arith.constant 125 : i32
      %lt3A_65 = arith.cmpi slt, %add3A_63, %lt3A_64 : i32
      %convert_element_type3A_66 = arith.extui %lt3A_65 : i1 to i32
      %cond3A_67 = arith.constant 0 : i32
      %cond3A_68 = arith.cmpi ne, %convert_element_type3A_66, %cond3A_67 : i32
      scf.if %cond3A_68 {
        %mul3A_69 = arith.constant 80 : i32
        %mul3A_70 = arith.muli %add3A_63, %mul3A_69 : i32
        %dma_start3A_71 = tpu.memref_slice %arg7[%mul3A_70] : memref<10000xi32, #tpu.memory_space<vmem>> -> memref<80xi32, #tpu.memory_space<vmem>>
        %dma_start3A_72 = arith.constant 0 : i32
        %dma_start3A_73 = arith.constant 0 : i32
        %dma_start3A_74 = tpu.memref_slice %arg2[%dma_start3A_72, %dma_start3A_73] : memref<10000x128xf32, #tpu.memory_space<hbm>> -> memref<10000x128xf32, #tpu.memory_space<hbm>>
        tpu.enqueue_indirect_dma source(%dma_start3A_74 : memref<10000x128xf32, #tpu.memory_space<hbm>>) target(%arg10 : memref<80x128xf32, #tpu.memory_space<vmem>>) offsets(%dma_start3A_71 : memref<80xi32, #tpu.memory_space<vmem>>) semaphore(%arg13 : memref<!tpu.dma_semaphore, #tpu.memory_space<semaphore_mem>>)
      } else {
      }
    }
    %scan3A_20 = arith.constant 62 : i32
    %dma_wait3A = arith.constant 9920 : i32
    %dma_wait3A_21 = tpu.memref_slice %arg7[%dma_wait3A] : memref<10000xi32, #tpu.memory_space<vmem>> -> memref<80xi32, #tpu.memory_space<vmem>>
    %dma_wait3A_22 = arith.constant 0 : i32
    %dma_wait3A_23 = arith.constant 0 : i32
    %dma_wait3A_24 = tpu.memref_slice %arg2[%dma_wait3A_22, %dma_wait3A_23] : memref<10000x128xf32, #tpu.memory_space<hbm>> -> memref<10000x128xf32, #tpu.memory_space<hbm>>
    tpu.wait_indirect_dma semaphore(%arg12 : memref<!tpu.dma_semaphore, #tpu.memory_space<semaphore_mem>>) src(%dma_wait3A_24 : memref<10000x128xf32, #tpu.memory_space<hbm>>) dst(%arg9 : memref<80x128xf32, #tpu.memory_space<vmem>>)
    %run_scoped3A = arith.constant 124 : i32
    "tpu.region"() ({
      %run_scoped3A_35 = tpu.sem_alloc : memref<!tpu.dma_semaphore, #tpu.memory_space<semaphore_mem>>
      %dma_start3A_36 = arith.constant 0 : i32
      %dma_start3A_37 = tpu.memref_slice %arg8[%run_scoped3A, %dma_start3A_36] : memref<125x80xi32, #tpu.memory_space<vmem>> -> memref<1x80xi32, #tpu.memory_space<vmem>>
      %dma_start3A_38 = tpu.memref_squeeze %dma_start3A_37 : memref<1x80xi32, #tpu.memory_space<vmem>> -> memref<80xi32, #tpu.memory_space<vmem>>
      %dma_start3A_39 = arith.constant 0 : i32
      %dma_start3A_40 = arith.constant 0 : i32
      %dma_start3A_41 = tpu.memref_slice %arg11[%dma_start3A_39, %dma_start3A_40] : memref<10000x128xf32, #tpu.memory_space<vmem_shared>> -> memref<10000x128xf32, #tpu.memory_space<vmem_shared>>
      tpu.enqueue_indirect_dma source(%arg9 : memref<80x128xf32, #tpu.memory_space<vmem>>) target(%dma_start3A_41 : memref<10000x128xf32, #tpu.memory_space<vmem_shared>>) offsets(%dma_start3A_38 : memref<80xi32, #tpu.memory_space<vmem>>) semaphore(%run_scoped3A_35 : memref<!tpu.dma_semaphore, #tpu.memory_space<semaphore_mem>>) {add = true}
      %dma_wait3A_42 = arith.constant 0 : i32
      %dma_wait3A_43 = tpu.memref_slice %arg8[%run_scoped3A, %dma_wait3A_42] : memref<125x80xi32, #tpu.memory_space<vmem>> -> memref<1x80xi32, #tpu.memory_space<vmem>>
      %dma_wait3A_44 = tpu.memref_squeeze %dma_wait3A_43 : memref<1x80xi32, #tpu.memory_space<vmem>> -> memref<80xi32, #tpu.memory_space<vmem>>
      %dma_wait3A_45 = arith.constant 0 : i32
      %dma_wait3A_46 = arith.constant 0 : i32
      %dma_wait3A_47 = tpu.memref_slice %arg11[%dma_wait3A_45, %dma_wait3A_46] : memref<10000x128xf32, #tpu.memory_space<vmem_shared>> -> memref<10000x128xf32, #tpu.memory_space<vmem_shared>>
      tpu.wait_indirect_dma semaphore(%run_scoped3A_35 : memref<!tpu.dma_semaphore, #tpu.memory_space<semaphore_mem>>) src(%arg9 : memref<80x128xf32, #tpu.memory_space<vmem>>) dst(%dma_wait3A_47 : memref<10000x128xf32, #tpu.memory_space<vmem_shared>>)
      tpu.yield
    }) : () -> ()
    %barrier3A_25 = arith.constant 0 : index
    tpu.barrier barrier_id(%barrier3A_25)
    %mul3A_26 = arith.constant 624 : i32
    %mul3A_27 = arith.muli %arg1, %mul3A_26 : i32
    %mul3A_28 = arith.constant 624 : i32
    %mul3A_29 = arith.muli %arg1, %mul3A_28 : i32
    "tpu.region"() ({
      %run_scoped3A_35 = tpu.sem_alloc : memref<!tpu.dma_semaphore, #tpu.memory_space<semaphore_mem>>
      %dma_start3A_36 = arith.constant 0 : i32
      %dma_start3A_37 = tpu.memref_slice %arg6[%arg0, %mul3A_29, %dma_start3A_36] : memref<2x10000x128xf32, #tpu.memory_space<hbm>> -> memref<1x624x128xf32, #tpu.memory_space<hbm>>
      %dma_start3A_38 = tpu.memref_squeeze %dma_start3A_37 : memref<1x624x128xf32, #tpu.memory_space<hbm>> -> memref<624x128xf32, #tpu.memory_space<hbm>>
      %dma_start3A_39 = arith.constant 0 : i32
      %dma_start3A_40 = tpu.memref_slice %arg11[%mul3A_27, %dma_start3A_39] : memref<10000x128xf32, #tpu.memory_space<vmem_shared>> -> memref<624x128xf32, #tpu.memory_space<vmem_shared>>
      tpu.enqueue_dma source(%dma_start3A_40 : memref<624x128xf32, #tpu.memory_space<vmem_shared>>) target(%dma_start3A_38 : memref<624x128xf32, #tpu.memory_space<hbm>>) target_semaphore(%run_scoped3A_35 : memref<!tpu.dma_semaphore, #tpu.memory_space<semaphore_mem>>)
      %dma_wait3A_41 = arith.constant 0 : i32
      %dma_wait3A_42 = tpu.memref_slice %arg6[%arg0, %mul3A_29, %dma_wait3A_41] : memref<2x10000x128xf32, #tpu.memory_space<hbm>> -> memref<1x624x128xf32, #tpu.memory_space<hbm>>
      %dma_wait3A_43 = tpu.memref_squeeze %dma_wait3A_42 : memref<1x624x128xf32, #tpu.memory_space<hbm>> -> memref<624x128xf32, #tpu.memory_space<hbm>>
      %dma_wait3A_44 = arith.constant 0 : i32
      %dma_wait3A_45 = tpu.memref_slice %arg11[%mul3A_27, %dma_wait3A_44] : memref<10000x128xf32, #tpu.memory_space<vmem_shared>> -> memref<624x128xf32, #tpu.memory_space<vmem_shared>>
      tpu.wait_dma2 semaphore(%run_scoped3A_35 : memref<!tpu.dma_semaphore, #tpu.memory_space<semaphore_mem>>) src(%dma_wait3A_45 : memref<624x128xf32, #tpu.memory_space<vmem_shared>>) dst(%dma_wait3A_43 : memref<624x128xf32, #tpu.memory_space<hbm>>)
      tpu.yield
    }) : () -> ()
    %eq3A_30 = arith.constant 15 : i32
    %eq3A_31 = arith.cmpi eq, %arg1, %eq3A_30 : i32
    %convert_element_type3A_32 = arith.extui %eq3A_31 : i1 to i32
    %cond3A_33 = arith.constant 0 : i32
    %cond3A_34 = arith.cmpi ne, %convert_element_type3A_32, %cond3A_33 : i32
    scf.if %cond3A_34 {
      "tpu.region"() ({
        %run_scoped3A_35 = tpu.sem_alloc : memref<!tpu.dma_semaphore, #tpu.memory_space<semaphore_mem>>
        %dma_start3A_36 = arith.constant 9984 : i32
        %dma_start3A_37 = arith.constant 0 : i32
        %dma_start3A_38 = tpu.memref_slice %arg6[%arg0, %dma_start3A_36, %dma_start3A_37] : memref<2x10000x128xf32, #tpu.memory_space<hbm>> -> memref<1x16x128xf32, #tpu.memory_space<hbm>>
        %dma_start3A_39 = tpu.memref_squeeze %dma_start3A_38 : memref<1x16x128xf32, #tpu.memory_space<hbm>> -> memref<16x128xf32, #tpu.memory_space<hbm>>
        %dma_start3A_40 = arith.constant 9984 : i32
        %dma_start3A_41 = arith.constant 0 : i32
        %dma_start3A_42 = tpu.memref_slice %arg11[%dma_start3A_40, %dma_start3A_41] : memref<10000x128xf32, #tpu.memory_space<vmem_shared>> -> memref<16x128xf32, #tpu.memory_space<vmem_shared>>
        tpu.enqueue_dma source(%dma_start3A_42 : memref<16x128xf32, #tpu.memory_space<vmem_shared>>) target(%dma_start3A_39 : memref<16x128xf32, #tpu.memory_space<hbm>>) target_semaphore(%run_scoped3A_35 : memref<!tpu.dma_semaphore, #tpu.memory_space<semaphore_mem>>)
        %dma_wait3A_43 = arith.constant 9984 : i32
        %dma_wait3A_44 = arith.constant 0 : i32
        %dma_wait3A_45 = tpu.memref_slice %arg6[%arg0, %dma_wait3A_43, %dma_wait3A_44] : memref<2x10000x128xf32, #tpu.memory_space<hbm>> -> memref<1x16x128xf32, #tpu.memory_space<hbm>>
        %dma_wait3A_46 = tpu.memref_squeeze %dma_wait3A_45 : memref<1x16x128xf32, #tpu.memory_space<hbm>> -> memref<16x128xf32, #tpu.memory_space<hbm>>
        %dma_wait3A_47 = arith.constant 9984 : i32
        %dma_wait3A_48 = arith.constant 0 : i32
        %dma_wait3A_49 = tpu.memref_slice %arg11[%dma_wait3A_47, %dma_wait3A_48] : memref<10000x128xf32, #tpu.memory_space<vmem_shared>> -> memref<16x128xf32, #tpu.memory_space<vmem_shared>>
        tpu.wait_dma2 semaphore(%run_scoped3A_35 : memref<!tpu.dma_semaphore, #tpu.memory_space<semaphore_mem>>) src(%dma_wait3A_49 : memref<16x128xf32, #tpu.memory_space<vmem_shared>>) dst(%dma_wait3A_46 : memref<16x128xf32, #tpu.memory_space<hbm>>)
        tpu.yield
      }) : () -> ()
    } else {
    }
    return
  }
}

#map = affine_map<(d0, d1) -> (0, 0)>
#map1 = affine_map<(d0, d1) -> (0)>
#map2 = affine_map<(d0, d1) -> (0, 0, 0)>
module attributes {stable_mosaic.version = 14 : i64} {
  func.func @_edge_aggr(%arg0: i32, %arg1: i32, %arg2: memref<10000x128xf32, #tpu.memory_space<hbm>>, %arg3: memref<640000xi32, #tpu.memory_space<hbm>>, %arg4: memref<32x125x80xi32, #tpu.memory_space<hbm>>, %arg5: memref<640x128xf32, #tpu.memory_space<hbm>>, %arg6: memref<2x10000x128xf32, #tpu.memory_space<hbm>>, %arg7: memref<10000xi32, #tpu.memory_space<vmem>>, %arg8: memref<125x80xi32, #tpu.memory_space<vmem>>, %arg9: memref<80x128xf32, #tpu.memory_space<vmem>>, %arg10: memref<80x128xf32, #tpu.memory_space<vmem>>, %arg11: memref<10000x128xf32, #tpu.memory_space<vmem_shared>>, %arg12: memref<!tpu.dma_semaphore, #tpu.memory_space<semaphore_mem>>, %arg13: memref<!tpu.dma_semaphore, #tpu.memory_space<semaphore_mem>>) attributes {dimension_semantics = [#tpu.dimension_semantics<core_parallel>, #tpu.dimension_semantics<subcore_parallel>], iteration_bounds = array<i64: 2, 16>, scalar_prefetch = 0 : i64, scratch_operands = 7 : i64, tpu.core_type = #tpu.core_type<sc_vector_subcore>, window_params = [{transform_indices = #map}, {transform_indices = #map1}, {transform_indices = #map2}, {transform_indices = #map}, {transform_indices = #map2}]} {
    %mul3A = arith.constant 16 : i32
    %mul3A_0 = arith.muli %arg0, %mul3A : i32
    %add3A = arith.addi %mul3A_0, %arg1 : i32
    %mul3A_1 = arith.constant 10000 : i32
    %mul3A_2 = arith.muli %add3A, %mul3A_1 : i32
    "tpu.region"() ({
      %run_scoped3A_35 = tpu.sem_alloc : memref<!tpu.dma_semaphore, #tpu.memory_space<semaphore_mem>>
      %dma_start3A_36 = tpu.memref_slice %arg3[%mul3A_2] : memref<640000xi32, #tpu.memory_space<hbm>> -> memref<10000xi32, #tpu.memory_space<hbm>>
      %dma_start3A_37 = tpu.memref_slice %arg3[%mul3A_2] : memref<640000xi32, #tpu.memory_space<hbm>> -> memref<10000xi32, #tpu.memory_space<hbm>>
      tpu.enqueue_dma source(%dma_start3A_37 : memref<10000xi32, #tpu.memory_space<hbm>>) target(%arg7 : memref<10000xi32, #tpu.memory_space<vmem>>) target_semaphore(%run_scoped3A_35 : memref<!tpu.dma_semaphore, #tpu.memory_space<semaphore_mem>>)
      %dma_wait3A_38 = tpu.memref_slice %arg3[%mul3A_2] : memref<640000xi32, #tpu.memory_space<hbm>> -> memref<10000xi32, #tpu.memory_space<hbm>>
      %dma_wait3A_39 = tpu.memref_slice %arg3[%mul3A_2] : memref<640000xi32, #tpu.memory_space<hbm>> -> memref<10000xi32, #tpu.memory_space<hbm>>
      tpu.wait_dma2 semaphore(%run_scoped3A_35 : memref<!tpu.dma_semaphore, #tpu.memory_space<semaphore_mem>>) src(%dma_wait3A_39 : memref<10000xi32, #tpu.memory_space<hbm>>) dst(%arg7 : memref<10000xi32, #tpu.memory_space<vmem>>)
      tpu.yield
    }) : () -> ()
    "tpu.region"() ({
      %run_scoped3A_35 = tpu.sem_alloc : memref<!tpu.dma_semaphore, #tpu.memory_space<semaphore_mem>>
      %dma_start3A_36 = arith.constant 0 : i32
      %dma_start3A_37 = arith.constant 0 : i32
      %dma_start3A_38 = tpu.memref_slice %arg4[%add3A, %dma_start3A_36, %dma_start3A_37] : memref<32x125x80xi32, #tpu.memory_space<hbm>> -> memref<1x125x80xi32, #tpu.memory_space<hbm>>
      %dma_start3A_39 = tpu.memref_squeeze %dma_start3A_38 : memref<1x125x80xi32, #tpu.memory_space<hbm>> -> memref<125x80xi32, #tpu.memory_space<hbm>>
      %dma_start3A_40 = arith.constant 0 : i32
      %dma_start3A_41 = arith.constant 0 : i32
      %dma_start3A_42 = tpu.memref_slice %arg4[%add3A, %dma_start3A_40, %dma_start3A_41] : memref<32x125x80xi32, #tpu.memory_space<hbm>> -> memref<1x125x80xi32, #tpu.memory_space<hbm>>
      %dma_start3A_43 = tpu.memref_squeeze %dma_start3A_42 : memref<1x125x80xi32, #tpu.memory_space<hbm>> -> memref<125x80xi32, #tpu.memory_space<hbm>>
      tpu.enqueue_dma source(%dma_start3A_43 : memref<125x80xi32, #tpu.memory_space<hbm>>) target(%arg8 : memref<125x80xi32, #tpu.memory_space<vmem>>) target_semaphore(%run_scoped3A_35 : memref<!tpu.dma_semaphore, #tpu.memory_space<semaphore_mem>>)
      %dma_wait3A_44 = arith.constant 0 : i32
      %dma_wait3A_45 = arith.constant 0 : i32
      %dma_wait3A_46 = tpu.memref_slice %arg4[%add3A, %dma_wait3A_44, %dma_wait3A_45] : memref<32x125x80xi32, #tpu.memory_space<hbm>> -> memref<1x125x80xi32, #tpu.memory_space<hbm>>
      %dma_wait3A_47 = tpu.memref_squeeze %dma_wait3A_46 : memref<1x125x80xi32, #tpu.memory_space<hbm>> -> memref<125x80xi32, #tpu.memory_space<hbm>>
      %dma_wait3A_48 = arith.constant 0 : i32
      %dma_wait3A_49 = arith.constant 0 : i32
      %dma_wait3A_50 = tpu.memref_slice %arg4[%add3A, %dma_wait3A_48, %dma_wait3A_49] : memref<32x125x80xi32, #tpu.memory_space<hbm>> -> memref<1x125x80xi32, #tpu.memory_space<hbm>>
      %dma_wait3A_51 = tpu.memref_squeeze %dma_wait3A_50 : memref<1x125x80xi32, #tpu.memory_space<hbm>> -> memref<125x80xi32, #tpu.memory_space<hbm>>
      tpu.wait_dma2 semaphore(%run_scoped3A_35 : memref<!tpu.dma_semaphore, #tpu.memory_space<semaphore_mem>>) src(%dma_wait3A_51 : memref<125x80xi32, #tpu.memory_space<hbm>>) dst(%arg8 : memref<125x80xi32, #tpu.memory_space<vmem>>)
      tpu.yield
    }) : () -> ()
    %mul3A_3 = arith.constant 624 : i32
    %mul3A_4 = arith.muli %arg1, %mul3A_3 : i32
    "tpu.region"() ({
      %run_scoped3A_35 = tpu.sem_alloc : memref<!tpu.dma_semaphore, #tpu.memory_space<semaphore_mem>>
      %dma_start3A_36 = arith.constant 0 : i32
      %dma_start3A_37 = tpu.memref_slice %arg11[%mul3A_4, %dma_start3A_36] : memref<10000x128xf32, #tpu.memory_space<vmem_shared>> -> memref<624x128xf32, #tpu.memory_space<vmem_shared>>
      %dma_start3A_38 = arith.constant 0 : i32
      %dma_start3A_39 = arith.constant 0 : i32
      %dma_start3A_40 = tpu.memref_slice %arg5[%dma_start3A_38, %dma_start3A_39] : memref<640x128xf32, #tpu.memory_space<hbm>> -> memref<624x128xf32, #tpu.memory_space<hbm>>
      tpu.enqueue_dma source(%dma_start3A_40 : memref<624x128xf32, #tpu.memory_space<hbm>>) target(%dma_start3A_37 : memref<624x128xf32, #tpu.memory_space<vmem_shared>>) target_semaphore(%run_scoped3A_35 : memref<!tpu.dma_semaphore, #tpu.memory_space<semaphore_mem>>)
      %dma_wait3A_41 = arith.constant 0 : i32
      %dma_wait3A_42 = tpu.memref_slice %arg11[%mul3A_4, %dma_wait3A_41] : memref<10000x128xf32, #tpu.memory_space<vmem_shared>> -> memref<624x128xf32, #tpu.memory_space<vmem_shared>>
      %dma_wait3A_43 = arith.constant 0 : i32
      %dma_wait3A_44 = arith.constant 0 : i32
      %dma_wait3A_45 = tpu.memref_slice %arg5[%dma_wait3A_43, %dma_wait3A_44] : memref<640x128xf32, #tpu.memory_space<hbm>> -> memref<624x128xf32, #tpu.memory_space<hbm>>
      tpu.wait_dma2 semaphore(%run_scoped3A_35 : memref<!tpu.dma_semaphore, #tpu.memory_space<semaphore_mem>>) src(%dma_wait3A_45 : memref<624x128xf32, #tpu.memory_space<hbm>>) dst(%dma_wait3A_42 : memref<624x128xf32, #tpu.memory_space<vmem_shared>>)
      tpu.yield
    }) : () -> ()
    %eq3A = arith.constant 15 : i32
    %eq3A_5 = arith.cmpi eq, %arg1, %eq3A : i32
    %convert_element_type3A = arith.extui %eq3A_5 : i1 to i32
    %cond3A = arith.constant 0 : i32
    %cond3A_6 = arith.cmpi ne, %convert_element_type3A, %cond3A : i32
    scf.if %cond3A_6 {
      "tpu.region"() ({
        %run_scoped3A_35 = tpu.sem_alloc : memref<!tpu.dma_semaphore, #tpu.memory_space<semaphore_mem>>
        %dma_start3A_36 = arith.constant 9984 : i32
        %dma_start3A_37 = arith.constant 0 : i32
        %dma_start3A_38 = tpu.memref_slice %arg11[%dma_start3A_36, %dma_start3A_37] : memref<10000x128xf32, #tpu.memory_space<vmem_shared>> -> memref<16x128xf32, #tpu.memory_space<vmem_shared>>
        %dma_start3A_39 = arith.constant 624 : i32
        %dma_start3A_40 = arith.constant 0 : i32
        %dma_start3A_41 = tpu.memref_slice %arg5[%dma_start3A_39, %dma_start3A_40] : memref<640x128xf32, #tpu.memory_space<hbm>> -> memref<16x128xf32, #tpu.memory_space<hbm>>
        tpu.enqueue_dma source(%dma_start3A_41 : memref<16x128xf32, #tpu.memory_space<hbm>>) target(%dma_start3A_38 : memref<16x128xf32, #tpu.memory_space<vmem_shared>>) target_semaphore(%run_scoped3A_35 : memref<!tpu.dma_semaphore, #tpu.memory_space<semaphore_mem>>)
        %dma_wait3A_42 = arith.constant 9984 : i32
        %dma_wait3A_43 = arith.constant 0 : i32
        %dma_wait3A_44 = tpu.memref_slice %arg11[%dma_wait3A_42, %dma_wait3A_43] : memref<10000x128xf32, #tpu.memory_space<vmem_shared>> -> memref<16x128xf32, #tpu.memory_space<vmem_shared>>
        %dma_wait3A_45 = arith.constant 624 : i32
        %dma_wait3A_46 = arith.constant 0 : i32
        %dma_wait3A_47 = tpu.memref_slice %arg5[%dma_wait3A_45, %dma_wait3A_46] : memref<640x128xf32, #tpu.memory_space<hbm>> -> memref<16x128xf32, #tpu.memory_space<hbm>>
        tpu.wait_dma2 semaphore(%run_scoped3A_35 : memref<!tpu.dma_semaphore, #tpu.memory_space<semaphore_mem>>) src(%dma_wait3A_47 : memref<16x128xf32, #tpu.memory_space<hbm>>) dst(%dma_wait3A_44 : memref<16x128xf32, #tpu.memory_space<vmem_shared>>)
        tpu.yield
      }) : () -> ()
    } else {
    }
    %barrier3A = arith.constant 0 : index
    tpu.barrier barrier_id(%barrier3A)
    %dma_start3A = arith.constant 0 : i32
    %dma_start3A_7 = tpu.memref_slice %arg7[%dma_start3A] : memref<10000xi32, #tpu.memory_space<vmem>> -> memref<80xi32, #tpu.memory_space<vmem>>
    %dma_start3A_8 = arith.constant 0 : i32
    %dma_start3A_9 = arith.constant 0 : i32
    %dma_start3A_10 = tpu.memref_slice %arg2[%dma_start3A_8, %dma_start3A_9] : memref<10000x128xf32, #tpu.memory_space<hbm>> -> memref<10000x128xf32, #tpu.memory_space<hbm>>
    tpu.enqueue_indirect_dma source(%dma_start3A_10 : memref<10000x128xf32, #tpu.memory_space<hbm>>) target(%arg9 : memref<80x128xf32, #tpu.memory_space<vmem>>) offsets(%dma_start3A_7 : memref<80xi32, #tpu.memory_space<vmem>>) semaphore(%arg12 : memref<!tpu.dma_semaphore, #tpu.memory_space<semaphore_mem>>)
    %dma_start3A_11 = arith.constant 80 : i32
    %dma_start3A_12 = tpu.memref_slice %arg7[%dma_start3A_11] : memref<10000xi32, #tpu.memory_space<vmem>> -> memref<80xi32, #tpu.memory_space<vmem>>
    %dma_start3A_13 = arith.constant 0 : i32
    %dma_start3A_14 = arith.constant 0 : i32
    %dma_start3A_15 = tpu.memref_slice %arg2[%dma_start3A_13, %dma_start3A_14] : memref<10000x128xf32, #tpu.memory_space<hbm>> -> memref<10000x128xf32, #tpu.memory_space<hbm>>
    tpu.enqueue_indirect_dma source(%dma_start3A_15 : memref<10000x128xf32, #tpu.memory_space<hbm>>) target(%arg10 : memref<80x128xf32, #tpu.memory_space<vmem>>) offsets(%dma_start3A_12 : memref<80xi32, #tpu.memory_space<vmem>>) semaphore(%arg13 : memref<!tpu.dma_semaphore, #tpu.memory_space<semaphore_mem>>)
    %scan3A = arith.constant 0 : i32
    %scan3A_16 = arith.constant 0 : i32
    %scan3A_17 = arith.constant 62 : i32
    %scan3A_18 = arith.addi %scan3A_16, %scan3A_17 : i32
    %scan3A_19 = arith.constant 1 : i32
    scf.for %scan3A_35 = %scan3A_16 to %scan3A_18 step %scan3A_19  : i32 {
      %mul3A_36 = arith.constant 2 : i32
      %mul3A_37 = arith.muli %scan3A_35, %mul3A_36 : i32
      %add3A_38 = arith.constant 0 : i32
      %add3A_39 = arith.addi %mul3A_37, %add3A_38 : i32
      %mul3A_40 = arith.constant 80 : i32
      %mul3A_41 = arith.muli %add3A_39, %mul3A_40 : i32
      %dma_wait3A_42 = tpu.memref_slice %arg7[%mul3A_41] : memref<10000xi32, #tpu.memory_space<vmem>> -> memref<80xi32, #tpu.memory_space<vmem>>
      %dma_wait3A_43 = arith.constant 0 : i32
      %dma_wait3A_44 = arith.constant 0 : i32
      %dma_wait3A_45 = tpu.memref_slice %arg2[%dma_wait3A_43, %dma_wait3A_44] : memref<10000x128xf32, #tpu.memory_space<hbm>> -> memref<10000x128xf32, #tpu.memory_space<hbm>>
      tpu.wait_indirect_dma semaphore(%arg12 : memref<!tpu.dma_semaphore, #tpu.memory_space<semaphore_mem>>) src(%dma_wait3A_45 : memref<10000x128xf32, #tpu.memory_space<hbm>>) dst(%arg9 : memref<80x128xf32, #tpu.memory_space<vmem>>)
      "tpu.region"() ({
        %run_scoped3A_69 = tpu.sem_alloc : memref<!tpu.dma_semaphore, #tpu.memory_space<semaphore_mem>>
        %dma_start3A_70 = arith.constant 0 : i32
        %dma_start3A_71 = tpu.memref_slice %arg8[%add3A_39, %dma_start3A_70] : memref<125x80xi32, #tpu.memory_space<vmem>> -> memref<1x80xi32, #tpu.memory_space<vmem>>
        %dma_start3A_72 = tpu.memref_squeeze %dma_start3A_71 : memref<1x80xi32, #tpu.memory_space<vmem>> -> memref<80xi32, #tpu.memory_space<vmem>>
        %dma_start3A_73 = arith.constant 0 : i32
        %dma_start3A_74 = arith.constant 0 : i32
        %dma_start3A_75 = tpu.memref_slice %arg11[%dma_start3A_73, %dma_start3A_74] : memref<10000x128xf32, #tpu.memory_space<vmem_shared>> -> memref<10000x128xf32, #tpu.memory_space<vmem_shared>>
        tpu.enqueue_indirect_dma source(%arg9 : memref<80x128xf32, #tpu.memory_space<vmem>>) target(%dma_start3A_75 : memref<10000x128xf32, #tpu.memory_space<vmem_shared>>) offsets(%dma_start3A_72 : memref<80xi32, #tpu.memory_space<vmem>>) semaphore(%run_scoped3A_69 : memref<!tpu.dma_semaphore, #tpu.memory_space<semaphore_mem>>) {add = true}
        %dma_wait3A_76 = arith.constant 0 : i32
        %dma_wait3A_77 = tpu.memref_slice %arg8[%add3A_39, %dma_wait3A_76] : memref<125x80xi32, #tpu.memory_space<vmem>> -> memref<1x80xi32, #tpu.memory_space<vmem>>
        %dma_wait3A_78 = tpu.memref_squeeze %dma_wait3A_77 : memref<1x80xi32, #tpu.memory_space<vmem>> -> memref<80xi32, #tpu.memory_space<vmem>>
        %dma_wait3A_79 = arith.constant 0 : i32
        %dma_wait3A_80 = arith.constant 0 : i32
        %dma_wait3A_81 = tpu.memref_slice %arg11[%dma_wait3A_79, %dma_wait3A_80] : memref<10000x128xf32, #tpu.memory_space<vmem_shared>> -> memref<10000x128xf32, #tpu.memory_space<vmem_shared>>
        tpu.wait_indirect_dma semaphore(%run_scoped3A_69 : memref<!tpu.dma_semaphore, #tpu.memory_space<semaphore_mem>>) src(%arg9 : memref<80x128xf32, #tpu.memory_space<vmem>>) dst(%dma_wait3A_81 : memref<10000x128xf32, #tpu.memory_space<vmem_shared>>)
        tpu.yield
      }) : () -> ()
      %add3A_46 = arith.constant 2 : i32
      %add3A_47 = arith.addi %add3A_39, %add3A_46 : i32
      %lt3A = arith.constant 125 : i32
      %lt3A_48 = arith.cmpi slt, %add3A_47, %lt3A : i32
      %convert_element_type3A_49 = arith.extui %lt3A_48 : i1 to i32
      %cond3A_50 = arith.constant 0 : i32
      %cond3A_51 = arith.cmpi ne, %convert_element_type3A_49, %cond3A_50 : i32
      scf.if %cond3A_51 {
        %mul3A_69 = arith.constant 80 : i32
        %mul3A_70 = arith.muli %add3A_47, %mul3A_69 : i32
        %dma_start3A_71 = tpu.memref_slice %arg7[%mul3A_70] : memref<10000xi32, #tpu.memory_space<vmem>> -> memref<80xi32, #tpu.memory_space<vmem>>
        %dma_start3A_72 = arith.constant 0 : i32
        %dma_start3A_73 = arith.constant 0 : i32
        %dma_start3A_74 = tpu.memref_slice %arg2[%dma_start3A_72, %dma_start3A_73] : memref<10000x128xf32, #tpu.memory_space<hbm>> -> memref<10000x128xf32, #tpu.memory_space<hbm>>
        tpu.enqueue_indirect_dma source(%dma_start3A_74 : memref<10000x128xf32, #tpu.memory_space<hbm>>) target(%arg9 : memref<80x128xf32, #tpu.memory_space<vmem>>) offsets(%dma_start3A_71 : memref<80xi32, #tpu.memory_space<vmem>>) semaphore(%arg12 : memref<!tpu.dma_semaphore, #tpu.memory_space<semaphore_mem>>)
      } else {
      }
      %mul3A_52 = arith.constant 2 : i32
      %mul3A_53 = arith.muli %scan3A_35, %mul3A_52 : i32
      %add3A_54 = arith.constant 1 : i32
      %add3A_55 = arith.addi %mul3A_53, %add3A_54 : i32
      %mul3A_56 = arith.constant 80 : i32
      %mul3A_57 = arith.muli %add3A_55, %mul3A_56 : i32
      %dma_wait3A_58 = tpu.memref_slice %arg7[%mul3A_57] : memref<10000xi32, #tpu.memory_space<vmem>> -> memref<80xi32, #tpu.memory_space<vmem>>
      %dma_wait3A_59 = arith.constant 0 : i32
      %dma_wait3A_60 = arith.constant 0 : i32
      %dma_wait3A_61 = tpu.memref_slice %arg2[%dma_wait3A_59, %dma_wait3A_60] : memref<10000x128xf32, #tpu.memory_space<hbm>> -> memref<10000x128xf32, #tpu.memory_space<hbm>>
      tpu.wait_indirect_dma semaphore(%arg13 : memref<!tpu.dma_semaphore, #tpu.memory_space<semaphore_mem>>) src(%dma_wait3A_61 : memref<10000x128xf32, #tpu.memory_space<hbm>>) dst(%arg10 : memref<80x128xf32, #tpu.memory_space<vmem>>)
      "tpu.region"() ({
        %run_scoped3A_69 = tpu.sem_alloc : memref<!tpu.dma_semaphore, #tpu.memory_space<semaphore_mem>>
        %dma_start3A_70 = arith.constant 0 : i32
        %dma_start3A_71 = tpu.memref_slice %arg8[%add3A_55, %dma_start3A_70] : memref<125x80xi32, #tpu.memory_space<vmem>> -> memref<1x80xi32, #tpu.memory_space<vmem>>
        %dma_start3A_72 = tpu.memref_squeeze %dma_start3A_71 : memref<1x80xi32, #tpu.memory_space<vmem>> -> memref<80xi32, #tpu.memory_space<vmem>>
        %dma_start3A_73 = arith.constant 0 : i32
        %dma_start3A_74 = arith.constant 0 : i32
        %dma_start3A_75 = tpu.memref_slice %arg11[%dma_start3A_73, %dma_start3A_74] : memref<10000x128xf32, #tpu.memory_space<vmem_shared>> -> memref<10000x128xf32, #tpu.memory_space<vmem_shared>>
        tpu.enqueue_indirect_dma source(%arg10 : memref<80x128xf32, #tpu.memory_space<vmem>>) target(%dma_start3A_75 : memref<10000x128xf32, #tpu.memory_space<vmem_shared>>) offsets(%dma_start3A_72 : memref<80xi32, #tpu.memory_space<vmem>>) semaphore(%run_scoped3A_69 : memref<!tpu.dma_semaphore, #tpu.memory_space<semaphore_mem>>) {add = true}
        %dma_wait3A_76 = arith.constant 0 : i32
        %dma_wait3A_77 = tpu.memref_slice %arg8[%add3A_55, %dma_wait3A_76] : memref<125x80xi32, #tpu.memory_space<vmem>> -> memref<1x80xi32, #tpu.memory_space<vmem>>
        %dma_wait3A_78 = tpu.memref_squeeze %dma_wait3A_77 : memref<1x80xi32, #tpu.memory_space<vmem>> -> memref<80xi32, #tpu.memory_space<vmem>>
        %dma_wait3A_79 = arith.constant 0 : i32
        %dma_wait3A_80 = arith.constant 0 : i32
        %dma_wait3A_81 = tpu.memref_slice %arg11[%dma_wait3A_79, %dma_wait3A_80] : memref<10000x128xf32, #tpu.memory_space<vmem_shared>> -> memref<10000x128xf32, #tpu.memory_space<vmem_shared>>
        tpu.wait_indirect_dma semaphore(%run_scoped3A_69 : memref<!tpu.dma_semaphore, #tpu.memory_space<semaphore_mem>>) src(%arg10 : memref<80x128xf32, #tpu.memory_space<vmem>>) dst(%dma_wait3A_81 : memref<10000x128xf32, #tpu.memory_space<vmem_shared>>)
        tpu.yield
      }) : () -> ()
      %add3A_62 = arith.constant 2 : i32
      %add3A_63 = arith.addi %add3A_55, %add3A_62 : i32
      %lt3A_64 = arith.constant 125 : i32
      %lt3A_65 = arith.cmpi slt, %add3A_63, %lt3A_64 : i32
      %convert_element_type3A_66 = arith.extui %lt3A_65 : i1 to i32
      %cond3A_67 = arith.constant 0 : i32
      %cond3A_68 = arith.cmpi ne, %convert_element_type3A_66, %cond3A_67 : i32
      scf.if %cond3A_68 {
        %mul3A_69 = arith.constant 80 : i32
        %mul3A_70 = arith.muli %add3A_63, %mul3A_69 : i32
        %dma_start3A_71 = tpu.memref_slice %arg7[%mul3A_70] : memref<10000xi32, #tpu.memory_space<vmem>> -> memref<80xi32, #tpu.memory_space<vmem>>
        %dma_start3A_72 = arith.constant 0 : i32
        %dma_start3A_73 = arith.constant 0 : i32
        %dma_start3A_74 = tpu.memref_slice %arg2[%dma_start3A_72, %dma_start3A_73] : memref<10000x128xf32, #tpu.memory_space<hbm>> -> memref<10000x128xf32, #tpu.memory_space<hbm>>
        tpu.enqueue_indirect_dma source(%dma_start3A_74 : memref<10000x128xf32, #tpu.memory_space<hbm>>) target(%arg10 : memref<80x128xf32, #tpu.memory_space<vmem>>) offsets(%dma_start3A_71 : memref<80xi32, #tpu.memory_space<vmem>>) semaphore(%arg13 : memref<!tpu.dma_semaphore, #tpu.memory_space<semaphore_mem>>)
      } else {
      }
    }
    %scan3A_20 = arith.constant 62 : i32
    %dma_wait3A = arith.constant 9920 : i32
    %dma_wait3A_21 = tpu.memref_slice %arg7[%dma_wait3A] : memref<10000xi32, #tpu.memory_space<vmem>> -> memref<80xi32, #tpu.memory_space<vmem>>
    %dma_wait3A_22 = arith.constant 0 : i32
    %dma_wait3A_23 = arith.constant 0 : i32
    %dma_wait3A_24 = tpu.memref_slice %arg2[%dma_wait3A_22, %dma_wait3A_23] : memref<10000x128xf32, #tpu.memory_space<hbm>> -> memref<10000x128xf32, #tpu.memory_space<hbm>>
    tpu.wait_indirect_dma semaphore(%arg12 : memref<!tpu.dma_semaphore, #tpu.memory_space<semaphore_mem>>) src(%dma_wait3A_24 : memref<10000x128xf32, #tpu.memory_space<hbm>>) dst(%arg9 : memref<80x128xf32, #tpu.memory_space<vmem>>)
    %run_scoped3A = arith.constant 124 : i32
    "tpu.region"() ({
      %run_scoped3A_35 = tpu.sem_alloc : memref<!tpu.dma_semaphore, #tpu.memory_space<semaphore_mem>>
      %dma_start3A_36 = arith.constant 0 : i32
      %dma_start3A_37 = tpu.memref_slice %arg8[%run_scoped3A, %dma_start3A_36] : memref<125x80xi32, #tpu.memory_space<vmem>> -> memref<1x80xi32, #tpu.memory_space<vmem>>
      %dma_start3A_38 = tpu.memref_squeeze %dma_start3A_37 : memref<1x80xi32, #tpu.memory_space<vmem>> -> memref<80xi32, #tpu.memory_space<vmem>>
      %dma_start3A_39 = arith.constant 0 : i32
      %dma_start3A_40 = arith.constant 0 : i32
      %dma_start3A_41 = tpu.memref_slice %arg11[%dma_start3A_39, %dma_start3A_40] : memref<10000x128xf32, #tpu.memory_space<vmem_shared>> -> memref<10000x128xf32, #tpu.memory_space<vmem_shared>>
      tpu.enqueue_indirect_dma source(%arg9 : memref<80x128xf32, #tpu.memory_space<vmem>>) target(%dma_start3A_41 : memref<10000x128xf32, #tpu.memory_space<vmem_shared>>) offsets(%dma_start3A_38 : memref<80xi32, #tpu.memory_space<vmem>>) semaphore(%run_scoped3A_35 : memref<!tpu.dma_semaphore, #tpu.memory_space<semaphore_mem>>) {add = true}
      %dma_wait3A_42 = arith.constant 0 : i32
      %dma_wait3A_43 = tpu.memref_slice %arg8[%run_scoped3A, %dma_wait3A_42] : memref<125x80xi32, #tpu.memory_space<vmem>> -> memref<1x80xi32, #tpu.memory_space<vmem>>
      %dma_wait3A_44 = tpu.memref_squeeze %dma_wait3A_43 : memref<1x80xi32, #tpu.memory_space<vmem>> -> memref<80xi32, #tpu.memory_space<vmem>>
      %dma_wait3A_45 = arith.constant 0 : i32
      %dma_wait3A_46 = arith.constant 0 : i32
      %dma_wait3A_47 = tpu.memref_slice %arg11[%dma_wait3A_45, %dma_wait3A_46] : memref<10000x128xf32, #tpu.memory_space<vmem_shared>> -> memref<10000x128xf32, #tpu.memory_space<vmem_shared>>
      tpu.wait_indirect_dma semaphore(%run_scoped3A_35 : memref<!tpu.dma_semaphore, #tpu.memory_space<semaphore_mem>>) src(%arg9 : memref<80x128xf32, #tpu.memory_space<vmem>>) dst(%dma_wait3A_47 : memref<10000x128xf32, #tpu.memory_space<vmem_shared>>)
      tpu.yield
    }) : () -> ()
    %barrier3A_25 = arith.constant 0 : index
    tpu.barrier barrier_id(%barrier3A_25)
    %mul3A_26 = arith.constant 624 : i32
    %mul3A_27 = arith.muli %arg1, %mul3A_26 : i32
    %mul3A_28 = arith.constant 624 : i32
    %mul3A_29 = arith.muli %arg1, %mul3A_28 : i32
    "tpu.region"() ({
      %run_scoped3A_35 = tpu.sem_alloc : memref<!tpu.dma_semaphore, #tpu.memory_space<semaphore_mem>>
      %dma_start3A_36 = arith.constant 0 : i32
      %dma_start3A_37 = tpu.memref_slice %arg6[%arg0, %mul3A_29, %dma_start3A_36] : memref<2x10000x128xf32, #tpu.memory_space<hbm>> -> memref<1x624x128xf32, #tpu.memory_space<hbm>>
      %dma_start3A_38 = tpu.memref_squeeze %dma_start3A_37 : memref<1x624x128xf32, #tpu.memory_space<hbm>> -> memref<624x128xf32, #tpu.memory_space<hbm>>
      %dma_start3A_39 = arith.constant 0 : i32
      %dma_start3A_40 = tpu.memref_slice %arg11[%mul3A_27, %dma_start3A_39] : memref<10000x128xf32, #tpu.memory_space<vmem_shared>> -> memref<624x128xf32, #tpu.memory_space<vmem_shared>>
      tpu.enqueue_dma source(%dma_start3A_40 : memref<624x128xf32, #tpu.memory_space<vmem_shared>>) target(%dma_start3A_38 : memref<624x128xf32, #tpu.memory_space<hbm>>) target_semaphore(%run_scoped3A_35 : memref<!tpu.dma_semaphore, #tpu.memory_space<semaphore_mem>>)
      %dma_wait3A_41 = arith.constant 0 : i32
      %dma_wait3A_42 = tpu.memref_slice %arg6[%arg0, %mul3A_29, %dma_wait3A_41] : memref<2x10000x128xf32, #tpu.memory_space<hbm>> -> memref<1x624x128xf32, #tpu.memory_space<hbm>>
      %dma_wait3A_43 = tpu.memref_squeeze %dma_wait3A_42 : memref<1x624x128xf32, #tpu.memory_space<hbm>> -> memref<624x128xf32, #tpu.memory_space<hbm>>
      %dma_wait3A_44 = arith.constant 0 : i32
      %dma_wait3A_45 = tpu.memref_slice %arg11[%mul3A_27, %dma_wait3A_44] : memref<10000x128xf32, #tpu.memory_space<vmem_shared>> -> memref<624x128xf32, #tpu.memory_space<vmem_shared>>
      tpu.wait_dma2 semaphore(%run_scoped3A_35 : memref<!tpu.dma_semaphore, #tpu.memory_space<semaphore_mem>>) src(%dma_wait3A_45 : memref<624x128xf32, #tpu.memory_space<vmem_shared>>) dst(%dma_wait3A_43 : memref<624x128xf32, #tpu.memory_space<hbm>>)
      tpu.yield
    }) : () -> ()
    %eq3A_30 = arith.constant 15 : i32
    %eq3A_31 = arith.cmpi eq, %arg1, %eq3A_30 : i32
    %convert_element_type3A_32 = arith.extui %eq3A_31 : i1 to i32
    %cond3A_33 = arith.constant 0 : i32
    %cond3A_34 = arith.cmpi ne, %convert_element_type3A_32, %cond3A_33 : i32
    scf.if %cond3A_34 {
      "tpu.region"() ({
        %run_scoped3A_35 = tpu.sem_alloc : memref<!tpu.dma_semaphore, #tpu.memory_space<semaphore_mem>>
        %dma_start3A_36 = arith.constant 9984 : i32
        %dma_start3A_37 = arith.constant 0 : i32
        %dma_start3A_38 = tpu.memref_slice %arg6[%arg0, %dma_start3A_36, %dma_start3A_37] : memref<2x10000x128xf32, #tpu.memory_space<hbm>> -> memref<1x16x128xf32, #tpu.memory_space<hbm>>
        %dma_start3A_39 = tpu.memref_squeeze %dma_start3A_38 : memref<1x16x128xf32, #tpu.memory_space<hbm>> -> memref<16x128xf32, #tpu.memory_space<hbm>>
        %dma_start3A_40 = arith.constant 9984 : i32
        %dma_start3A_41 = arith.constant 0 : i32
        %dma_start3A_42 = tpu.memref_slice %arg11[%dma_start3A_40, %dma_start3A_41] : memref<10000x128xf32, #tpu.memory_space<vmem_shared>> -> memref<16x128xf32, #tpu.memory_space<vmem_shared>>
        tpu.enqueue_dma source(%dma_start3A_42 : memref<16x128xf32, #tpu.memory_space<vmem_shared>>) target(%dma_start3A_39 : memref<16x128xf32, #tpu.memory_space<hbm>>) target_semaphore(%run_scoped3A_35 : memref<!tpu.dma_semaphore, #tpu.memory_space<semaphore_mem>>)
        %dma_wait3A_43 = arith.constant 9984 : i32
        %dma_wait3A_44 = arith.constant 0 : i32
        %dma_wait3A_45 = tpu.memref_slice %arg6[%arg0, %dma_wait3A_43, %dma_wait3A_44] : memref<2x10000x128xf32, #tpu.memory_space<hbm>> -> memref<1x16x128xf32, #tpu.memory_space<hbm>>
        %dma_wait3A_46 = tpu.memref_squeeze %dma_wait3A_45 : memref<1x16x128xf32, #tpu.memory_space<hbm>> -> memref<16x128xf32, #tpu.memory_space<hbm>>
        %dma_wait3A_47 = arith.constant 9984 : i32
        %dma_wait3A_48 = arith.constant 0 : i32
        %dma_wait3A_49 = tpu.memref_slice %arg11[%dma_wait3A_47, %dma_wait3A_48] : memref<10000x128xf32, #tpu.memory_space<vmem_shared>> -> memref<16x128xf32, #tpu.memory_space<vmem_shared>>
        tpu.wait_dma2 semaphore(%run_scoped3A_35 : memref<!tpu.dma_semaphore, #tpu.memory_space<semaphore_mem>>) src(%dma_wait3A_49 : memref<16x128xf32, #tpu.memory_space<vmem_shared>>) dst(%dma_wait3A_46 : memref<16x128xf32, #tpu.memory_space<hbm>>)
        tpu.yield
      }) : () -> ()
    } else {
    }
    return
  }
}

module attributes {stable_mosaic.version = 14 : i64} {
  func.func @_msg_body(%arg0: i32, %arg1: memref<2000x128xf32, #tpu.memory_space<vmem>>, %arg2: memref<128x16xf32, #tpu.memory_space<vmem>>, %arg3: memref<1x16xf32, #tpu.memory_space<vmem>>, %arg4: memref<16x128xf32, #tpu.memory_space<vmem>>, %arg5: memref<1x128xf32, #tpu.memory_space<vmem>>, %arg6: memref<2000x128xf32, #tpu.memory_space<vmem>>) attributes {dimension_semantics = [#tpu.dimension_semantics<arbitrary>], iteration_bounds = array<i64: 5>, scalar_prefetch = 0 : i64, scratch_operands = 0 : i64, tpu.core_type = #tpu.core_type<tc>, window_params = [{transform_indices = @transform_0, window_bounds = array<i64: 2000, 128>}, {pipeline_mode = #tpu.pipeline_mode<synchronous>, transform_indices = @transform_1, window_bounds = array<i64: 128, 16>}, {pipeline_mode = #tpu.pipeline_mode<synchronous>, transform_indices = @transform_2, window_bounds = array<i64: 1, 16>}, {pipeline_mode = #tpu.pipeline_mode<synchronous>, transform_indices = @transform_3, window_bounds = array<i64: 16, 128>}, {pipeline_mode = #tpu.pipeline_mode<synchronous>, transform_indices = @transform_4, window_bounds = array<i64: 1, 128>}, {transform_indices = @transform_5, window_bounds = array<i64: 2000, 128>}]} {
    %get3A = arith.constant 0 : index
    %get3A_0 = arith.constant 0 : index
    %get3A_1 = vector.load %arg1[%get3A, %get3A_0] : memref<2000x128xf32, #tpu.memory_space<vmem>>, vector<2000x128xf32>
    %get3A_2 = arith.constant 0 : index
    %get3A_3 = arith.constant 0 : index
    %get3A_4 = vector.load %arg2[%get3A_2, %get3A_3] : memref<128x16xf32, #tpu.memory_space<vmem>>, vector<128x16xf32>
    %dot_general3A = arith.constant dense<0.000000e+00> : vector<2000x16xf32>
    %dot_general3A_5 = tpu.matmul %get3A_1, %get3A_4, %dot_general3A {dimension_numbers = #tpu.dot_dimension_numbers<[1], [0], [0], [1], [0, 0, 1, 1], [], []>, transpose_lhs_hint = false} : vector<2000x128xf32>, vector<128x16xf32>, vector<2000x16xf32> -> vector<2000x16xf32>
    %get3A_6 = arith.constant 0 : index
    %get3A_7 = arith.constant 0 : index
    %get3A_8 = vector.load %arg3[%get3A_6, %get3A_7] : memref<1x16xf32, #tpu.memory_space<vmem>>, vector<1x16xf32>
    %add3A = vector.broadcast %get3A_8 : vector<1x16xf32> to vector<2000x16xf32>
    %add3A_9 = arith.addf %dot_general3A_5, %add3A : vector<2000x16xf32>
    %max3A = arith.constant 0.000000e+00 : f32
    %max3A_10 = vector.broadcast %max3A : f32 to vector<2000x16xf32>
    %max3A_11 = arith.maximumf %add3A_9, %max3A_10 : vector<2000x16xf32>
    %get3A_12 = arith.constant 0 : index
    %get3A_13 = arith.constant 0 : index
    %get3A_14 = vector.load %arg4[%get3A_12, %get3A_13] : memref<16x128xf32, #tpu.memory_space<vmem>>, vector<16x128xf32>
    %dot_general3A_15 = arith.constant dense<0.000000e+00> : vector<2000x128xf32>
    %dot_general3A_16 = tpu.matmul %max3A_11, %get3A_14, %dot_general3A_15 {dimension_numbers = #tpu.dot_dimension_numbers<[1], [0], [0], [1], [0, 0, 1, 1], [], []>, transpose_lhs_hint = false} : vector<2000x16xf32>, vector<16x128xf32>, vector<2000x128xf32> -> vector<2000x128xf32>
    %get3A_17 = arith.constant 0 : index
    %get3A_18 = arith.constant 0 : index
    %get3A_19 = vector.load %arg5[%get3A_17, %get3A_18] : memref<1x128xf32, #tpu.memory_space<vmem>>, vector<1x128xf32>
    %add3A_20 = vector.broadcast %get3A_19 : vector<1x128xf32> to vector<2000x128xf32>
    %add3A_21 = arith.addf %dot_general3A_16, %add3A_20 : vector<2000x128xf32>
    %max3A_22 = arith.constant 0.000000e+00 : f32
    %max3A_23 = vector.broadcast %max3A_22 : f32 to vector<2000x128xf32>
    %max3A_24 = arith.maximumf %add3A_21, %max3A_23 : vector<2000x128xf32>
    %swap3A = arith.constant 0 : index
    %swap3A_25 = arith.constant 0 : index
    %swap3A_26 = vector.load %arg6[%swap3A, %swap3A_25] : memref<2000x128xf32, #tpu.memory_space<vmem>>, vector<2000x128xf32>
    tpu.vector_store %arg6[%swap3A, %swap3A_25], %max3A_24 {strides = array<i32>} : memref<2000x128xf32, #tpu.memory_space<vmem>>, vector<2000x128xf32>,
    return
  }
  func.func @transform_0(%arg0: i32) -> (i32, i32) {
    %c0_i32 = arith.constant 0 : i32
    %c0_i32_0 = arith.constant 0 : i32
    return %arg0, %c0_i32 : i32, i32
  }
  func.func @transform_1(%arg0: i32) -> (i32, i32) {
    %c0_i32 = arith.constant 0 : i32
    %c0_i32_0 = arith.constant 0 : i32
    %c0_i32_1 = arith.constant 0 : i32
    return %c0_i32, %c0_i32_0 : i32, i32
  }
  func.func @transform_2(%arg0: i32) -> (i32, i32) {
    %c0_i32 = arith.constant 0 : i32
    %c0_i32_0 = arith.constant 0 : i32
    %c0_i32_1 = arith.constant 0 : i32
    return %c0_i32, %c0_i32_0 : i32, i32
  }
  func.func @transform_3(%arg0: i32) -> (i32, i32) {
    %c0_i32 = arith.constant 0 : i32
    %c0_i32_0 = arith.constant 0 : i32
    %c0_i32_1 = arith.constant 0 : i32
    return %c0_i32, %c0_i32_0 : i32, i32
  }
  func.func @transform_4(%arg0: i32) -> (i32, i32) {
    %c0_i32 = arith.constant 0 : i32
    %c0_i32_0 = arith.constant 0 : i32
    %c0_i32_1 = arith.constant 0 : i32
    return %c0_i32, %c0_i32_0 : i32, i32
  }
  func.func @transform_5(%arg0: i32) -> (i32, i32) {
    %c0_i32 = arith.constant 0 : i32
    %c0_i32_0 = arith.constant 0 : i32
    return %arg0, %c0_i32 : i32, i32
  }
}

module attributes {stable_mosaic.version = 14 : i64} {
  func.func @_upd_msg_body(%arg0: i32, %arg1: memref<2x2000x128xf32, #tpu.memory_space<vmem>>, %arg2: memref<2000x128xf32, #tpu.memory_space<vmem>>, %arg3: memref<128x16xf32, #tpu.memory_space<vmem>>, %arg4: memref<128x16xf32, #tpu.memory_space<vmem>>, %arg5: memref<1x16xf32, #tpu.memory_space<vmem>>, %arg6: memref<16x128xf32, #tpu.memory_space<vmem>>, %arg7: memref<1x128xf32, #tpu.memory_space<vmem>>, %arg8: memref<128x16xf32, #tpu.memory_space<vmem>>, %arg9: memref<1x16xf32, #tpu.memory_space<vmem>>, %arg10: memref<16x128xf32, #tpu.memory_space<vmem>>, %arg11: memref<1x128xf32, #tpu.memory_space<vmem>>, %arg12: memref<2000x128xf32, #tpu.memory_space<vmem>>, %arg13: memref<2000x128xf32, #tpu.memory_space<vmem>>) attributes {dimension_semantics = [#tpu.dimension_semantics<arbitrary>], iteration_bounds = array<i64: 5>, scalar_prefetch = 0 : i64, scratch_operands = 0 : i64, tpu.core_type = #tpu.core_type<tc>, window_params = [{transform_indices = @transform_0, window_bounds = array<i64: 2, 2000, 128>}, {transform_indices = @transform_1, window_bounds = array<i64: 2000, 128>}, {pipeline_mode = #tpu.pipeline_mode<synchronous>, transform_indices = @transform_2, window_bounds = array<i64: 128, 16>}, {pipeline_mode = #tpu.pipeline_mode<synchronous>, transform_indices = @transform_3, window_bounds = array<i64: 128, 16>}, {pipeline_mode = #tpu.pipeline_mode<synchronous>, transform_indices = @transform_4, window_bounds = array<i64: 1, 16>}, {pipeline_mode = #tpu.pipeline_mode<synchronous>, transform_indices = @transform_5, window_bounds = array<i64: 16, 128>}, {pipeline_mode = #tpu.pipeline_mode<synchronous>, transform_indices = @transform_6, window_bounds = array<i64: 1, 128>}, {pipeline_mode = #tpu.pipeline_mode<synchronous>, transform_indices = @transform_7, window_bounds = array<i64: 128, 16>}, {pipeline_mode = #tpu.pipeline_mode<synchronous>, transform_indices = @transform_8, window_bounds = array<i64: 1, 16>}, {pipeline_mode = #tpu.pipeline_mode<synchronous>, transform_indices = @transform_9, window_bounds = array<i64: 16, 128>}, {pipeline_mode = #tpu.pipeline_mode<synchronous>, transform_indices = @transform_10, window_bounds = array<i64: 1, 128>}, {transform_indices = @transform_11, window_bounds = array<i64: 2000, 128>}, {transform_indices = @transform_12, window_bounds = array<i64: 2000, 128>}]} {
    %get3A = arith.constant 0 : index
    %get3A_0 = arith.constant 0 : index
    %get3A_1 = arith.constant 0 : index
    %get3A_2 = vector.load %arg1[%get3A, %get3A_0, %get3A_1] : memref<2x2000x128xf32, #tpu.memory_space<vmem>>, vector<1x2000x128xf32>
    %get3A_3 = vector.shape_cast %get3A_2 : vector<1x2000x128xf32> to vector<2000x128xf32>
    %get3A_4 = arith.constant 1 : index
    %get3A_5 = arith.constant 0 : index
    %get3A_6 = arith.constant 0 : index
    %get3A_7 = vector.load %arg1[%get3A_4, %get3A_5, %get3A_6] : memref<2x2000x128xf32, #tpu.memory_space<vmem>>, vector<1x2000x128xf32>
    %get3A_8 = vector.shape_cast %get3A_7 : vector<1x2000x128xf32> to vector<2000x128xf32>
    %add3A = arith.addf %get3A_3, %get3A_8 : vector<2000x128xf32>
    %get3A_9 = arith.constant 0 : index
    %get3A_10 = arith.constant 0 : index
    %get3A_11 = vector.load %arg3[%get3A_9, %get3A_10] : memref<128x16xf32, #tpu.memory_space<vmem>>, vector<128x16xf32>
    %dot_general3A = arith.constant dense<0.000000e+00> : vector<2000x16xf32>
    %dot_general3A_12 = tpu.matmul %add3A, %get3A_11, %dot_general3A {dimension_numbers = #tpu.dot_dimension_numbers<[1], [0], [0], [1], [0, 0, 1, 1], [], []>, transpose_lhs_hint = false} : vector<2000x128xf32>, vector<128x16xf32>, vector<2000x16xf32> -> vector<2000x16xf32>
    %get3A_13 = arith.constant 0 : index
    %get3A_14 = arith.constant 0 : index
    %get3A_15 = vector.load %arg2[%get3A_13, %get3A_14] : memref<2000x128xf32, #tpu.memory_space<vmem>>, vector<2000x128xf32>
    %get3A_16 = arith.constant 0 : index
    %get3A_17 = arith.constant 0 : index
    %get3A_18 = vector.load %arg4[%get3A_16, %get3A_17] : memref<128x16xf32, #tpu.memory_space<vmem>>, vector<128x16xf32>
    %dot_general3A_19 = arith.constant dense<0.000000e+00> : vector<2000x16xf32>
    %dot_general3A_20 = tpu.matmul %get3A_15, %get3A_18, %dot_general3A_19 {dimension_numbers = #tpu.dot_dimension_numbers<[1], [0], [0], [1], [0, 0, 1, 1], [], []>, transpose_lhs_hint = false} : vector<2000x128xf32>, vector<128x16xf32>, vector<2000x16xf32> -> vector<2000x16xf32>
    %add3A_21 = arith.addf %dot_general3A_12, %dot_general3A_20 : vector<2000x16xf32>
    %get3A_22 = arith.constant 0 : index
    %get3A_23 = arith.constant 0 : index
    %get3A_24 = vector.load %arg5[%get3A_22, %get3A_23] : memref<1x16xf32, #tpu.memory_space<vmem>>, vector<1x16xf32>
    %add3A_25 = vector.broadcast %get3A_24 : vector<1x16xf32> to vector<2000x16xf32>
    %add3A_26 = arith.addf %add3A_21, %add3A_25 : vector<2000x16xf32>
    %max3A = arith.constant 0.000000e+00 : f32
    %max3A_27 = vector.broadcast %max3A : f32 to vector<2000x16xf32>
    %max3A_28 = arith.maximumf %add3A_26, %max3A_27 : vector<2000x16xf32>
    %get3A_29 = arith.constant 0 : index
    %get3A_30 = arith.constant 0 : index
    %get3A_31 = vector.load %arg6[%get3A_29, %get3A_30] : memref<16x128xf32, #tpu.memory_space<vmem>>, vector<16x128xf32>
    %dot_general3A_32 = arith.constant dense<0.000000e+00> : vector<2000x128xf32>
    %dot_general3A_33 = tpu.matmul %max3A_28, %get3A_31, %dot_general3A_32 {dimension_numbers = #tpu.dot_dimension_numbers<[1], [0], [0], [1], [0, 0, 1, 1], [], []>, transpose_lhs_hint = false} : vector<2000x16xf32>, vector<16x128xf32>, vector<2000x128xf32> -> vector<2000x128xf32>
    %get3A_34 = arith.constant 0 : index
    %get3A_35 = arith.constant 0 : index
    %get3A_36 = vector.load %arg7[%get3A_34, %get3A_35] : memref<1x128xf32, #tpu.memory_space<vmem>>, vector<1x128xf32>
    %add3A_37 = vector.broadcast %get3A_36 : vector<1x128xf32> to vector<2000x128xf32>
    %add3A_38 = arith.addf %dot_general3A_33, %add3A_37 : vector<2000x128xf32>
    %max3A_39 = arith.constant 0.000000e+00 : f32
    %max3A_40 = vector.broadcast %max3A_39 : f32 to vector<2000x128xf32>
    %max3A_41 = arith.maximumf %add3A_38, %max3A_40 : vector<2000x128xf32>
    %swap3A = arith.constant 0 : index
    %swap3A_42 = arith.constant 0 : index
    %swap3A_43 = vector.load %arg12[%swap3A, %swap3A_42] : memref<2000x128xf32, #tpu.memory_space<vmem>>, vector<2000x128xf32>
    tpu.vector_store %arg12[%swap3A, %swap3A_42], %max3A_41 {strides = array<i32>} : memref<2000x128xf32, #tpu.memory_space<vmem>>, vector<2000x128xf32>,
    %get3A_44 = arith.constant 0 : index
    %get3A_45 = arith.constant 0 : index
    %get3A_46 = vector.load %arg12[%get3A_44, %get3A_45] : memref<2000x128xf32, #tpu.memory_space<vmem>>, vector<2000x128xf32>
    %get3A_47 = arith.constant 0 : index
    %get3A_48 = arith.constant 0 : index
    %get3A_49 = vector.load %arg8[%get3A_47, %get3A_48] : memref<128x16xf32, #tpu.memory_space<vmem>>, vector<128x16xf32>
    %dot_general3A_50 = arith.constant dense<0.000000e+00> : vector<2000x16xf32>
    %dot_general3A_51 = tpu.matmul %get3A_46, %get3A_49, %dot_general3A_50 {dimension_numbers = #tpu.dot_dimension_numbers<[1], [0], [0], [1], [0, 0, 1, 1], [], []>, transpose_lhs_hint = false} : vector<2000x128xf32>, vector<128x16xf32>, vector<2000x16xf32> -> vector<2000x16xf32>
    %get3A_52 = arith.constant 0 : index
    %get3A_53 = arith.constant 0 : index
    %get3A_54 = vector.load %arg9[%get3A_52, %get3A_53] : memref<1x16xf32, #tpu.memory_space<vmem>>, vector<1x16xf32>
    %add3A_55 = vector.broadcast %get3A_54 : vector<1x16xf32> to vector<2000x16xf32>
    %add3A_56 = arith.addf %dot_general3A_51, %add3A_55 : vector<2000x16xf32>
    %max3A_57 = arith.constant 0.000000e+00 : f32
    %max3A_58 = vector.broadcast %max3A_57 : f32 to vector<2000x16xf32>
    %max3A_59 = arith.maximumf %add3A_56, %max3A_58 : vector<2000x16xf32>
    %get3A_60 = arith.constant 0 : index
    %get3A_61 = arith.constant 0 : index
    %get3A_62 = vector.load %arg10[%get3A_60, %get3A_61] : memref<16x128xf32, #tpu.memory_space<vmem>>, vector<16x128xf32>
    %dot_general3A_63 = arith.constant dense<0.000000e+00> : vector<2000x128xf32>
    %dot_general3A_64 = tpu.matmul %max3A_59, %get3A_62, %dot_general3A_63 {dimension_numbers = #tpu.dot_dimension_numbers<[1], [0], [0], [1], [0, 0, 1, 1], [], []>, transpose_lhs_hint = false} : vector<2000x16xf32>, vector<16x128xf32>, vector<2000x128xf32> -> vector<2000x128xf32>
    %get3A_65 = arith.constant 0 : index
    %get3A_66 = arith.constant 0 : index
    %get3A_67 = vector.load %arg11[%get3A_65, %get3A_66] : memref<1x128xf32, #tpu.memory_space<vmem>>, vector<1x128xf32>
    %add3A_68 = vector.broadcast %get3A_67 : vector<1x128xf32> to vector<2000x128xf32>
    %add3A_69 = arith.addf %dot_general3A_64, %add3A_68 : vector<2000x128xf32>
    %max3A_70 = arith.constant 0.000000e+00 : f32
    %max3A_71 = vector.broadcast %max3A_70 : f32 to vector<2000x128xf32>
    %max3A_72 = arith.maximumf %add3A_69, %max3A_71 : vector<2000x128xf32>
    %swap3A_73 = arith.constant 0 : index
    %swap3A_74 = arith.constant 0 : index
    %swap3A_75 = vector.load %arg13[%swap3A_73, %swap3A_74] : memref<2000x128xf32, #tpu.memory_space<vmem>>, vector<2000x128xf32>
    tpu.vector_store %arg13[%swap3A_73, %swap3A_74], %max3A_72 {strides = array<i32>} : memref<2000x128xf32, #tpu.memory_space<vmem>>, vector<2000x128xf32>,
    return
  }
  func.func @transform_0(%arg0: i32) -> (i32, i32, i32) {
    %c0_i32 = arith.constant 0 : i32
    %c0_i32_0 = arith.constant 0 : i32
    %c0_i32_1 = arith.constant 0 : i32
    return %c0_i32, %arg0, %c0_i32_0 : i32, i32, i32
  }
  func.func @transform_1(%arg0: i32) -> (i32, i32) {
    %c0_i32 = arith.constant 0 : i32
    %c0_i32_0 = arith.constant 0 : i32
    return %arg0, %c0_i32 : i32, i32
  }
  func.func @transform_2(%arg0: i32) -> (i32, i32) {
    %c0_i32 = arith.constant 0 : i32
    %c0_i32_0 = arith.constant 0 : i32
    %c0_i32_1 = arith.constant 0 : i32
    return %c0_i32, %c0_i32_0 : i32, i32
  }
  func.func @transform_3(%arg0: i32) -> (i32, i32) {
    %c0_i32 = arith.constant 0 : i32
    %c0_i32_0 = arith.constant 0 : i32
    %c0_i32_1 = arith.constant 0 : i32
    return %c0_i32, %c0_i32_0 : i32, i32
  }
  func.func @transform_4(%arg0: i32) -> (i32, i32) {
    %c0_i32 = arith.constant 0 : i32
    %c0_i32_0 = arith.constant 0 : i32
    %c0_i32_1 = arith.constant 0 : i32
    return %c0_i32, %c0_i32_0 : i32, i32
  }
  func.func @transform_5(%arg0: i32) -> (i32, i32) {
    %c0_i32 = arith.constant 0 : i32
    %c0_i32_0 = arith.constant 0 : i32
    %c0_i32_1 = arith.constant 0 : i32
    return %c0_i32, %c0_i32_0 : i32, i32
  }
  func.func @transform_6(%arg0: i32) -> (i32, i32) {
    %c0_i32 = arith.constant 0 : i32
    %c0_i32_0 = arith.constant 0 : i32
    %c0_i32_1 = arith.constant 0 : i32
    return %c0_i32, %c0_i32_0 : i32, i32
  }
  func.func @transform_7(%arg0: i32) -> (i32, i32) {
    %c0_i32 = arith.constant 0 : i32
    %c0_i32_0 = arith.constant 0 : i32
    %c0_i32_1 = arith.constant 0 : i32
    return %c0_i32, %c0_i32_0 : i32, i32
  }
  func.func @transform_8(%arg0: i32) -> (i32, i32) {
    %c0_i32 = arith.constant 0 : i32
    %c0_i32_0 = arith.constant 0 : i32
    %c0_i32_1 = arith.constant 0 : i32
    return %c0_i32, %c0_i32_0 : i32, i32
  }
  func.func @transform_9(%arg0: i32) -> (i32, i32) {
    %c0_i32 = arith.constant 0 : i32
    %c0_i32_0 = arith.constant 0 : i32
    %c0_i32_1 = arith.constant 0 : i32
    return %c0_i32, %c0_i32_0 : i32, i32
  }
  func.func @transform_10(%arg0: i32) -> (i32, i32) {
    %c0_i32 = arith.constant 0 : i32
    %c0_i32_0 = arith.constant 0 : i32
    %c0_i32_1 = arith.constant 0 : i32
    return %c0_i32, %c0_i32_0 : i32, i32
  }
  func.func @transform_11(%arg0: i32) -> (i32, i32) {
    %c0_i32 = arith.constant 0 : i32
    %c0_i32_0 = arith.constant 0 : i32
    return %arg0, %c0_i32 : i32, i32
  }
  func.func @transform_12(%arg0: i32) -> (i32, i32) {
    %c0_i32 = arith.constant 0 : i32
    %c0_i32_0 = arith.constant 0 : i32
    return %arg0, %c0_i32 : i32, i32
  }
}

module attributes {stable_mosaic.version = 14 : i64} {
  func.func @_upd_body(%arg0: i32, %arg1: memref<2x2000x128xf32, #tpu.memory_space<vmem>>, %arg2: memref<2000x128xf32, #tpu.memory_space<vmem>>, %arg3: memref<128x16xf32, #tpu.memory_space<vmem>>, %arg4: memref<128x16xf32, #tpu.memory_space<vmem>>, %arg5: memref<1x16xf32, #tpu.memory_space<vmem>>, %arg6: memref<16x128xf32, #tpu.memory_space<vmem>>, %arg7: memref<1x128xf32, #tpu.memory_space<vmem>>, %arg8: memref<2000x128xf32, #tpu.memory_space<vmem>>) attributes {dimension_semantics = [#tpu.dimension_semantics<arbitrary>], iteration_bounds = array<i64: 5>, scalar_prefetch = 0 : i64, scratch_operands = 0 : i64, tpu.core_type = #tpu.core_type<tc>, window_params = [{transform_indices = @transform_0, window_bounds = array<i64: 2, 2000, 128>}, {transform_indices = @transform_1, window_bounds = array<i64: 2000, 128>}, {pipeline_mode = #tpu.pipeline_mode<synchronous>, transform_indices = @transform_2, window_bounds = array<i64: 128, 16>}, {pipeline_mode = #tpu.pipeline_mode<synchronous>, transform_indices = @transform_3, window_bounds = array<i64: 128, 16>}, {pipeline_mode = #tpu.pipeline_mode<synchronous>, transform_indices = @transform_4, window_bounds = array<i64: 1, 16>}, {pipeline_mode = #tpu.pipeline_mode<synchronous>, transform_indices = @transform_5, window_bounds = array<i64: 16, 128>}, {pipeline_mode = #tpu.pipeline_mode<synchronous>, transform_indices = @transform_6, window_bounds = array<i64: 1, 128>}, {transform_indices = @transform_7, window_bounds = array<i64: 2000, 128>}]} {
    %get3A = arith.constant 0 : index
    %get3A_0 = arith.constant 0 : index
    %get3A_1 = arith.constant 0 : index
    %get3A_2 = vector.load %arg1[%get3A, %get3A_0, %get3A_1] : memref<2x2000x128xf32, #tpu.memory_space<vmem>>, vector<1x2000x128xf32>
    %get3A_3 = vector.shape_cast %get3A_2 : vector<1x2000x128xf32> to vector<2000x128xf32>
    %get3A_4 = arith.constant 1 : index
    %get3A_5 = arith.constant 0 : index
    %get3A_6 = arith.constant 0 : index
    %get3A_7 = vector.load %arg1[%get3A_4, %get3A_5, %get3A_6] : memref<2x2000x128xf32, #tpu.memory_space<vmem>>, vector<1x2000x128xf32>
    %get3A_8 = vector.shape_cast %get3A_7 : vector<1x2000x128xf32> to vector<2000x128xf32>
    %add3A = arith.addf %get3A_3, %get3A_8 : vector<2000x128xf32>
    %get3A_9 = arith.constant 0 : index
    %get3A_10 = arith.constant 0 : index
    %get3A_11 = vector.load %arg3[%get3A_9, %get3A_10] : memref<128x16xf32, #tpu.memory_space<vmem>>, vector<128x16xf32>
    %dot_general3A = arith.constant dense<0.000000e+00> : vector<2000x16xf32>
    %dot_general3A_12 = tpu.matmul %add3A, %get3A_11, %dot_general3A {dimension_numbers = #tpu.dot_dimension_numbers<[1], [0], [0], [1], [0, 0, 1, 1], [], []>, transpose_lhs_hint = false} : vector<2000x128xf32>, vector<128x16xf32>, vector<2000x16xf32> -> vector<2000x16xf32>
    %get3A_13 = arith.constant 0 : index
    %get3A_14 = arith.constant 0 : index
    %get3A_15 = vector.load %arg2[%get3A_13, %get3A_14] : memref<2000x128xf32, #tpu.memory_space<vmem>>, vector<2000x128xf32>
    %get3A_16 = arith.constant 0 : index
    %get3A_17 = arith.constant 0 : index
    %get3A_18 = vector.load %arg4[%get3A_16, %get3A_17] : memref<128x16xf32, #tpu.memory_space<vmem>>, vector<128x16xf32>
    %dot_general3A_19 = arith.constant dense<0.000000e+00> : vector<2000x16xf32>
    %dot_general3A_20 = tpu.matmul %get3A_15, %get3A_18, %dot_general3A_19 {dimension_numbers = #tpu.dot_dimension_numbers<[1], [0], [0], [1], [0, 0, 1, 1], [], []>, transpose_lhs_hint = false} : vector<2000x128xf32>, vector<128x16xf32>, vector<2000x16xf32> -> vector<2000x16xf32>
    %add3A_21 = arith.addf %dot_general3A_12, %dot_general3A_20 : vector<2000x16xf32>
    %get3A_22 = arith.constant 0 : index
    %get3A_23 = arith.constant 0 : index
    %get3A_24 = vector.load %arg5[%get3A_22, %get3A_23] : memref<1x16xf32, #tpu.memory_space<vmem>>, vector<1x16xf32>
    %add3A_25 = vector.broadcast %get3A_24 : vector<1x16xf32> to vector<2000x16xf32>
    %add3A_26 = arith.addf %add3A_21, %add3A_25 : vector<2000x16xf32>
    %max3A = arith.constant 0.000000e+00 : f32
    %max3A_27 = vector.broadcast %max3A : f32 to vector<2000x16xf32>
    %max3A_28 = arith.maximumf %add3A_26, %max3A_27 : vector<2000x16xf32>
    %get3A_29 = arith.constant 0 : index
    %get3A_30 = arith.constant 0 : index
    %get3A_31 = vector.load %arg6[%get3A_29, %get3A_30] : memref<16x128xf32, #tpu.memory_space<vmem>>, vector<16x128xf32>
    %dot_general3A_32 = arith.constant dense<0.000000e+00> : vector<2000x128xf32>
    %dot_general3A_33 = tpu.matmul %max3A_28, %get3A_31, %dot_general3A_32 {dimension_numbers = #tpu.dot_dimension_numbers<[1], [0], [0], [1], [0, 0, 1, 1], [], []>, transpose_lhs_hint = false} : vector<2000x16xf32>, vector<16x128xf32>, vector<2000x128xf32> -> vector<2000x128xf32>
    %get3A_34 = arith.constant 0 : index
    %get3A_35 = arith.constant 0 : index
    %get3A_36 = vector.load %arg7[%get3A_34, %get3A_35] : memref<1x128xf32, #tpu.memory_space<vmem>>, vector<1x128xf32>
    %add3A_37 = vector.broadcast %get3A_36 : vector<1x128xf32> to vector<2000x128xf32>
    %add3A_38 = arith.addf %dot_general3A_33, %add3A_37 : vector<2000x128xf32>
    %max3A_39 = arith.constant 0.000000e+00 : f32
    %max3A_40 = vector.broadcast %max3A_39 : f32 to vector<2000x128xf32>
    %max3A_41 = arith.maximumf %add3A_38, %max3A_40 : vector<2000x128xf32>
    %swap3A = arith.constant 0 : index
    %swap3A_42 = arith.constant 0 : index
    %swap3A_43 = vector.load %arg8[%swap3A, %swap3A_42] : memref<2000x128xf32, #tpu.memory_space<vmem>>, vector<2000x128xf32>
    tpu.vector_store %arg8[%swap3A, %swap3A_42], %max3A_41 {strides = array<i32>} : memref<2000x128xf32, #tpu.memory_space<vmem>>, vector<2000x128xf32>,
    return
  }
  func.func @transform_0(%arg0: i32) -> (i32, i32, i32) {
    %c0_i32 = arith.constant 0 : i32
    %c0_i32_0 = arith.constant 0 : i32
    %c0_i32_1 = arith.constant 0 : i32
    return %c0_i32, %arg0, %c0_i32_0 : i32, i32, i32
  }
  func.func @transform_1(%arg0: i32) -> (i32, i32) {
    %c0_i32 = arith.constant 0 : i32
    %c0_i32_0 = arith.constant 0 : i32
    return %arg0, %c0_i32 : i32, i32
  }
  func.func @transform_2(%arg0: i32) -> (i32, i32) {
    %c0_i32 = arith.constant 0 : i32
    %c0_i32_0 = arith.constant 0 : i32
    %c0_i32_1 = arith.constant 0 : i32
    return %c0_i32, %c0_i32_0 : i32, i32
  }
  func.func @transform_3(%arg0: i32) -> (i32, i32) {
    %c0_i32 = arith.constant 0 : i32
    %c0_i32_0 = arith.constant 0 : i32
    %c0_i32_1 = arith.constant 0 : i32
    return %c0_i32, %c0_i32_0 : i32, i32
  }
  func.func @transform_4(%arg0: i32) -> (i32, i32) {
    %c0_i32 = arith.constant 0 : i32
    %c0_i32_0 = arith.constant 0 : i32
    %c0_i32_1 = arith.constant 0 : i32
    return %c0_i32, %c0_i32_0 : i32, i32
  }
  func.func @transform_5(%arg0: i32) -> (i32, i32) {
    %c0_i32 = arith.constant 0 : i32
    %c0_i32_0 = arith.constant 0 : i32
    %c0_i32_1 = arith.constant 0 : i32
    return %c0_i32, %c0_i32_0 : i32, i32
  }
  func.func @transform_6(%arg0: i32) -> (i32, i32) {
    %c0_i32 = arith.constant 0 : i32
    %c0_i32_0 = arith.constant 0 : i32
    %c0_i32_1 = arith.constant 0 : i32
    return %c0_i32, %c0_i32_0 : i32, i32
  }
  func.func @transform_7(%arg0: i32) -> (i32, i32) {
    %c0_i32 = arith.constant 0 : i32
    %c0_i32_0 = arith.constant 0 : i32
    return %arg0, %c0_i32 : i32, i32
  }
}

</mosaic_0001>

<sc_bundles>
// kernel: kernel.12.cloned.1.call-start
scs
__scs_entry_jumppad:
0x0: {  	(pc) =	sbr.rel $0x88, $3  }
0x1: {  	(tag) =	ssettag $0x0;
	lr =	simm.s32 $0x1  }
0x2: {  	[smem:$0x3F87] =	sst lr;
	_ =	strace $0xD0000000  }
0x3: {  	_ = 	snop  }
0x4: {  	_ = 	snop  }
0x5: {  	_ = 	snop  }
0x6: {  	_ = 	snop  }
0x7: {  	_ = 	snop  }
__scs_overlays_trampoline_lowered:
0x8: {  	[smem:$0x3F96] =	sst s0  }
0x9: {  	[smem:$0x3F97] =	sst s1  }
0xa: {  	[smem:$0x3F98] =	sst s2  }
0xb: {  	[smem:$0x3F99] =	sst s3  }
0xc: {  	[smem:$0x3F9A] =	sst s4  }
0xd: {  	[smem:$0x3F9B] =	sst s5  }
0xe: {  	[smem:$0x3F9C] =	sst s6  }
0xf: {  	[smem:$0x3F9D] =	sst s7  }
0x10: {  	[smem:$0x3F9E] =	sst s8  }
0x11: {  	[smem:$0x3F9F] =	sst s9;
	s0 =	simm.s32 @!p0 $0x0  }
0x12: {  	s1 =	sld [smem:$0x3F85];
	s0 =	simm.s32 @p0 $0x1  }
0x13: {  	[smem:$0x3FA0] =	sst s0;
	s0 =	simm.s32 @!p1 $0x0  }
0x14: {  	s2 =	sld [smem:$0x3F84];
	s0 =	simm.s32 @p1 $0x1  }
0x15: {  	[smem:$0x3FA1] =	sst s0;
	s0 =	simm.s32 @!p2 $0x0  }
0x16: {  	s3 =	sld [smem:$0x3FDB];
	s0 =	simm.s32 @p2 $0x1  }
0x17: {  	s4 =	simm.s32 $0x1BF5;
	[smem:$0x3FA3] =	sst s0  }
0x18: {  	s0 =	sld [smem:$0x3F86];
	_ =	swait.ge [sflag:s4], $0x0  }
0x19: {  	s7 =	sld [smem:$0x3F87]  }
0x1a: {  	s8 =	sadd.s32 $0xFFFFE003, lr  }
0x1b: {  	s9 =	sadd.s32 $0xFFFFFEF7, lr;
	s5 =	simm.s32 $0xFFFFFFFF;
	p2 =	slt.u32 s8, $0xFFFFF086  }
0x1c: {  	p1 =	slt.u32 s9, $0xF7A;
	s5 =	simm.s32 @!p2 $0x0  }
0x1d: {  	s5 =	simm.s32 @p1 $0x1;
	p0 =	seq.s32 s7, s2  }
0x1e: {  	s7 =	smul.u32 @!p0 $0xF7A, s2;
	p2 =	seq.s32 @!p0 s5, $0x0  }
0x1f: {  	s9 =	smul.u32 $0xF7A, s1;
	s8 =	simm.s32 @!p0 $0x1BF5;
	p2 =	por !p2, p0  }
0x20: {  	[sflag:s8] =	ssyncset.s32 @!p0 $0xFFFFF086;
	s6 =	sadd.s32 @!p0 s3, s7;
	s7 =	simm.s32 @!p0 $0x108  }
0x21: {  	s3 =	sadd.s32 s3, s9;
	s6 =	sadd.s32 @!p0 $0x88, s6;
	s7 =	simm.s32 @p2 $0x1082  }
0x22: {  	[simem:s7], [sflag:s8] =	dma.local @!p0 [hbm:s6], $0xF7A  }
0x23: {  	s9 =	sor.u32 $0xD0000000, s2;
	s6 =	simm.s32 $0x108;
	_ =	swait.ge @!p0 [sflag:s8], $0x0  }
0x24: {  	s3 =	sadd.s32 $0x88, s3;
	s6 =	simm.s32 @!p1 $0x1082;
	[sflag:s4] =	ssyncset.s32 $0xFFFFF086  }
0x25: {  	[simem:s6], [sflag:s4] =	dma.local [hbm:s3], $0xF7A  }
0x26: {  	[smem:$0x3F87] =	sst s1;
	(tag) =	ssettag s2;
	_ =	strace s9  }
0x27: {  	s1 =	sld [smem:$0x3F97]  }
0x28: {  	s2 =	sld [smem:$0x3F98]  }
0x29: {  	s4 =	sld [smem:$0x3F9A]  }
0x2a: {  	p0 =	seq.s32 s5, $0x0;
	s5 =	sld [smem:$0x3F9B]  }
0x2b: {  	s6 =	sld [smem:$0x3F9C]  }
0x2c: {  	s7 =	sld [smem:$0x3F9D]  }
0x2d: {  	s3 =	simm.s32 $0x108;
	s8 =	sld [smem:$0x3F9E]  }
0x2e: {  	s3 =	simm.s32 @!p0 $0x1082;
	s9 =	sld [smem:$0x3F9F]  }
0x2f: {  	lr =	sadd.s32 s0, s3;
	s0 =	sld [smem:$0x3F96]  }
0x30: {  	s3 =	sld [smem:$0x3F99]  }
0x31: {  	[smem:$0x3FA2] =	sst s10  }
0x32: {  	s10 =	sld [smem:$0x3FA0];
	_ =	sdelay $0x3  }
0x33: {  	p0 =	seq.s32 s10, $0x1;
	s10 =	sld [smem:$0x3FA2];
	_ =	sdelay $0x3  }
0x34: {  	[smem:$0x3FA2] =	sst s10  }
0x35: {  	s10 =	sld [smem:$0x3FA1];
	_ =	sdelay $0x3  }
0x36: {  	p1 =	seq.s32 s10, $0x1;
	s10 =	sld [smem:$0x3FA2];
	_ =	sdelay $0x3  }
0x37: {  	[smem:$0x3FA2] =	sst s10  }
0x38: {  	s10 =	sld [smem:$0x3FA3]  }
0x39: {  	_ = 	snop;
	(pc) =	sbr.ind lr, $3  }
0x3a: {  	_ = 	snop  }
0x3b: {  	_ = 	snop  }
0x3c: {  	p2 =	seq.s32 s10, $0x1;
	s10 =	sld [smem:$0x3FA2]  }
0x3d: {  	_ =	shalt  }
0x3e: {  	_ =	shalt  }
0x3f: {  	_ =	shalt  }
0x40: {  	_ =	shalt  }
0x41: {  	_ =	shalt  }
0x42: {  	_ =	shalt  }
0x43: {  	_ =	shalt  }
0x44: {  	_ =	shalt  }
0x45: {  	_ =	shalt  }
0x46: {  	_ =	shalt  }
0x47: {  	_ =	shalt  }
0x48: {  	_ =	shalt  }
0x49: {  	_ =	shalt  }
0x4a: {  	_ =	shalt  }
0x4b: {  	_ =	shalt  }
0x4c: {  	_ =	shalt  }
0x4d: {  	_ =	shalt  }
0x4e: {  	_ =	shalt  }
0x4f: {  	_ =	shalt  }
0x50: {  	_ =	shalt  }
0x51: {  	_ =	shalt  }
0x52: {  	_ =	shalt  }
0x53: {  	_ =	shalt  }
0x54: {  	_ =	shalt  }
0x55: {  	_ =	shalt  }
0x56: {  	_ =	shalt  }
0x57: {  	_ =	shalt  }
0x58: {  	_ =	shalt  }
0x59: {  	_ =	shalt  }
0x5a: {  	_ =	shalt  }
0x5b: {  	_ =	shalt  }
0x5c: {  	_ =	shalt  }
0x5d: {  	_ =	shalt  }
0x5e: {  	_ =	shalt  }
0x5f: {  	_ =	shalt  }
0x60: {  	_ =	shalt  }
0x61: {  	_ =	shalt  }
0x62: {  	_ =	shalt  }
0x63: {  	_ =	shalt  }
0x64: {  	_ =	shalt  }
0x65: {  	_ =	shalt  }
0x66: {  	_ =	shalt  }
0x67: {  	_ =	shalt  }
0x68: {  	_ =	shalt  }
0x69: {  	_ =	shalt  }
0x6a: {  	_ =	shalt  }
0x6b: {  	_ =	shalt  }
0x6c: {  	_ =	shalt  }
0x6d: {  	_ =	shalt  }
0x6e: {  	_ =	shalt  }
0x6f: {  	_ =	shalt  }
0x70: {  	_ =	shalt  }
0x71: {  	_ =	shalt  }
0x72: {  	_ =	shalt  }
0x73: {  	_ =	shalt  }
0x74: {  	_ =	shalt  }
0x75: {  	_ =	shalt  }
0x76: {  	_ =	shalt  }
0x77: {  	_ =	shalt  }
0x78: {  	_ =	shalt  }
0x79: {  	_ =	shalt  }
0x7a: {  	_ =	shalt  }
0x7b: {  	_ =	shalt  }
0x7c: {  	_ =	shalt  }
0x7d: {  	_ =	shalt  }
0x7e: {  	_ =	shalt  }
0x7f: {  	_ =	shalt  }
0x80: {  	_ =	shalt  }
0x81: {  	_ =	shalt  }
0x82: {  	_ =	shalt  }
0x83: {  	_ =	shalt  }
0x84: {  	_ =	shalt  }
0x85: {  	_ =	shalt  }
0x86: {  	_ =	shalt  }
0x87: {  	_ =	shalt  }
.Lfunc_end0:
.L_simem_size_0:
called_computation.1_lowered:
.L_overlay_start_0:
0x88: {  	s2 =	sld [smem:$0x3FD9]  }
0x89: {  	s3 =	sld [smem:$0x3FFE];
	_ =	sdelay $0x1  }
0x8a: {  	s1 =	srdreg.scid  }
0x8b: {  	s0 =	sand.u32 $0x1, s1  }
0x8c: {  	s17 =	sshll.u32 s0, $0xA;
	s2 =	sadd.s32 s3, s2  }
0x8d: {  	s2 =	sadd.s32 s2, s17  }
0x8e: {  	[smem:$0x3FAE] =	sst s2  }
0x8f: {  	_ = 	snop  }
0x90: {  	s2 =	sld [smem:$0x3FD0];
	(tm) =	ssettm $0x1  }
0x91: {  	s18 =	sld [smem:$0x3FFB];
	_ =	sdelay $0x3  }
0x92: {  	_ =	strace s18  }
0x93: {  	s3 =	sld [smem:$0x3FFC];
	_ =	sdelay $0x3  }
0x94: {  	_ =	strace s3  }
0x95: {  	s3 =	sld [smem:$0x3FFD];
	_ =	sdelay $0x3  }
0x96: {  	_ =	strace s3  }
0x97: {  	_ =	strace $0x8FFFFFFF  }
0x98: {  	s19 =	sld [smem:$0x3FDB];
	_ =	sdelay $0x1  }
0x99: {  	s4 =	simm.s32 $_scs_section_size  }
0x9a: {  	s5 =	simm.s32 $_size__tile_overlayer_lowered;
	s6 =	simm.s32 $_tile_overlayer_lowered  }
0x9b: {  	s22 =	simm.s32 $0x1BFF;
	s21 =	sshll.u32 s6, $0x1;
	s3 =	sadd.s32 s4, s19  }
0x9c: {  	s7 =	simm.s32 $0x0;
	s20 =	sshll.u32 s5, $0x1;
	s5 =	sadd.s32 s21, s3  }
0x9d: {  	[timem:s7], [sflag:s22] =	dma.local [hbm:s5], s20  }
0x9e: {  	_ =	swait.ge [sflag:s22], s20  }
0x9f: {  	s4 =	ssub.s32 $0x0, s20;
	[sflag:s22] =	ssyncset.done $0x0  }
0xa0: {  	[sflag:s22] =	ssyncadd.s32 s4;
	_ =	sdelay $0x1  }
0xa1: {  	s23 =	simm.s32 $0x1B8B  }
0xa2: {  	_ =	swait.ge [sflag:s23], $0x1  }
0xa3: {  	[sflag:s23] =	ssyncset.done $0x0  }
0xa4: {  	s25 =	simm.s32 $0x1B8E;
	s24 =	sld [smem:$0x3FFE];
	[sflag:s23] =	ssyncadd.s32 $0xFFFFFFFF  }
0xa5: {  	s26 =	simm.s32 $execute0_lowered;
	[smem:$0x3FD2] =	sst s25  }
0xa6: {  	s5 =	sshll.u32 s26, $0x1;
	_ =	strace $0x80000049;
	[dreg:$0x1] =	wrdreg $0xFFFFFFFF  }
0xa7: {  	s28 =	simm.s32 $_size_execute0_lowered;
	s3 =	sadd.s32 s3, s5;
	[dreg:$0x0] =	wrdreg $0x0  }
0xa8: {  	s5 =	sshll.u32 s28, $0x1;
	[dreg:$0x2] =	wrdreg s3  }
0xa9: {  	[dreg:$0x3] =	wrdreg s5  }
0xaa: {  	[dreg:$0x4] =	wrdreg $0xC0  }
0xab: {  	_ =	task [dreg:s7], $0x5FFFF  }
0xac: {  	[dreg:$0x1] =	wrdreg $0xFFFFFFFF  }
0xad: {  	[dreg:$0x0] =	wrdreg $0x60  }
0xae: {  	[dreg:$0x2] =	wrdreg s2  }
0xaf: {  	[dreg:$0x3] =	wrdreg s24  }
0xb0: {  	[dreg:$0x4] =	wrdreg $0xB7800  }
0xb1: {  	[dreg:$0x5] =	wrdreg $0x9  }
0xb2: {  	_ =	task.clear_ibuf [dreg:s7], $0x6FFFF;
	_ =	strace $0x90000049  }
0xb3: {  	s29 =	simm.s32 $0x9;
	_ =	strace $0x8000004B  }
0xb4: {  	_ =	swait.ge [sflag:s29], $0x1  }
0xb5: {  	[sflag:s29] =	ssyncadd.s32 $0xFFFFFFFF  }
0xb6: {  	_ =	strace $0x9000004B  }
0xb7: {  	_ =	sfence  }
0xb8: {  	s30 =	sld [smem:$0x0];
	_ =	sdelay $0x2  }
0xb9: {  	s31 =	sshll.u32 s1, $0xD;
	s1 =	sshrl.u32 s1, $0x2  }
0xba: {  	s3 =	sand.u32 $0x4000, s31;
	s1 =	sadd.s32 s1, s30  }
0xbb: {  	s0 =	sor.u32 s3, s0;
	s1 =	sshll.u32 s1, $0x11  }
0xbc: {  	s0 =	sor.u32 s1, s0  }
0xbd: {  	s0 =	sadd.s32 $0x8F2B, s0  }
0xbe: {  	[sflag:s0] =	ssyncadd.remote.s32 $0x1  }
0xbf: {  	_ =	sfence.sel $0xFFFF  }
0xc0: {  	[dreg:$0x0] =	wrdreg $0xFFFFFFFF;
	(pc) =	sbr.abs _section_cstart, $3  }
0xc1: {  	[dreg:$0x1] =	wrdreg $0xFFFFFFFF  }
0xc2: {  	_ =	task.clear_ibuf [dreg:s7], $0x2FFFF;
	_ =	strace $0x9FFFFFFF  }
0xc3: {  	(tm) =	ssettm $0x7FFFFFFF  }
tec
execute0_lowered:
.L_overlay_start_1:
0x0: {  	(tag) =	ssettag $0x1  }
0x1: {  	s1 =	rddreg [dreg:$0x0]  }
0x2: {  	s8 =	rddreg [dreg:$0x1]  }
0x3: {  	s0 =	srdreg.scid;
	s3 =	rddreg [dreg:$0x2];
	s4 =	simm.s32 $0x0  }
0x4: {  	s17 =	simm.s32 $0x50;
	s18 =	simm.s32 $0x6780;
	s19 =	simm.s32 $0x8F80  }
0x5: {  	s20 =	simm.s32 $0x1;
	s21 =	simm.s32 $0x2;
	s22 =	simm.s32 $0x6480  }
0x6: {  	s23 =	simm.s32 $0x26C0;
	s24 =	simm.s32 $0x6500;
	s25 =	simm.s32 $0x6580  }
0x7: {  	s6 =	sand.u32 $0x1, s0;
	s0 =	stileid.u32;
	[smem:$0x7FF] =	sst s4  }
0x8: {  	s14 =	sadd.s32 $0x2B400, s8;
	s16 =	sadd.s32 $0x138000, s3;
	s11 =	smul.u32 $0x4E000, s0  }
0x9: {  	s2 =	sshll.u32 s6, $0x4;
	_ =	strace $0x8000004A;
	s13 =	smul.u32 $0x138800, s6  }
0xa: {  	s10 =	ssub.s32 $0x2, s6;
	s26 =	smul.u32 $0x13800, s0;
	p0 =	sne.s32 s0, $0xF  }
0xb: {  	s31 =	sshll.u32 s0, $0x6;
	s5 =	sor.u32 s0, s2;
	s12 =	sshrl.u32 s10, $0x1  }
0xc: {  	s16 =	sshrl.u32 @!p0 s16, $0x3;
	s7 =	smul.u32 $0x4E2, s5;
	s5 =	sshll.u32 s5, $0xB  }
0xd: {  	s12 =	ssub.s32 s10, s12;
	s28 =	sshrl.u32 s11, $0x2;
	s29 =	sadd.s32 s26, s13  }
0xe: {  	s30 =	sshrl.u32 s13, $0x3;
	s13 =	simm.s32 $0x2780;
	s26 =	simm.s32 $0x0  }
0xf: {  	s9 =	sadd.s32 s5, s8;
	s5 =	sadd.s32 $0x28C00, s8;
	s15 =	sadd.s32 s28, s3  }
0x10: {  	s10 =	sadd.s32 s14, s30;
	s11 =	smax.u32 s12, $0x1;
	s12 =	simm.s32 $0x3  }
0x11: {  	s7 =	sadd.s32 s7, s8;
	s8 =	sadd.s32 $0x2B300, s8;
	s10 =	sadd.s32 $0x27000, s10  }
0x12: {  	s6 =	sadd.s32 $0x5200, s7;
	s7 =	sadd.s32 $0x18C00, s9;
	s9 =	sshrl.u32 s29, $0x3  }
0x13: {  	s15 =	sshrl.u32 s15, $0x3;
	s9 =	sadd.s32 s14, s9;
	s14 =	sor.u32 $0x1C03, s31  }
.LBB2_1:
0x14: {  	[tilespmem:s4], [sflag:$0x3] =	stream.linear.gather [hbm4b:s6+s4], $0x2710, $0x38;
	[tilespmem:$0x1F000] =	vst v63  }
0x15: {  	_ =	swait.ge [sflag:s12], $0x2710  }
0x16: {  	[sflag:s12] =	ssyncset.done $0x0  }
0x17: {  	[sflag:s12] =	ssyncadd.s32 $0xFFFFD8F0  }
0x18: {  	[tilespmem:s13], [sflag:$0x3] =	stream.linear.gather [hbm4b:s7+s4], $0x3E80, $0x38;
	[tilespmem:$0x1F000] =	vst v63  }
0x19: {  	_ =	swait.ge [sflag:s12], $0x3E80  }
0x1a: {  	[sflag:s12] =	ssyncset.done $0x0  }
0x1b: {  	[sflag:s12] =	ssyncadd.s32 $0xFFFFC180  }
0x1c: {  	[spmem:s15], [sflag:s14] =	dma.local [hbm:s5], $0x2700  }
0x1d: {  	_ =	swait.ge [sflag:s12], $0x2700  }
0x1e: {  	[sflag:s12] =	ssyncset.done $0x0  }
0x1f: {  	s28 =	simm.s32 @!p0 $0x3;
	[sflag:s12] =	ssyncadd.s32 $0xFFFFD900  }
0x20: {  	[spmem:s16], [sflag:s14] =	dma.local @!p0 [hbm:s8], $0x100  }
0x21: {  	_ =	swait.ge @!p0 [sflag:s28], $0x100  }
0x22: {  	[sflag:s28] =	ssyncset.done @!p0 $0x0  }
0x23: {  	[sflag:s28] =	ssyncadd.s32 @!p0 $0xFFFFFF00  }
0x24: {  	[bflag:$0x0] =	sbarrier.arrive $0xFFFF  }
0x25: {  	[tilespmem:s18], [sflag:$0x1] =	stream.indirect.gather [hbm4b:s1+s17], $0x80, s4, s17, $0xb8;
	[tilespmem:$0x1F000] =	vst v63  }
0x26: {  	_ = 	snop  }
0x27: {  	[tilespmem:s19], [sflag:$0x2] =	stream.indirect.gather [hbm4b:s1+s17], $0x80, s17, s17, $0xb8;
	[tilespmem:$0x1F000] =	vst v63  }
0x28: {  	_ =	swait.ge [sflag:s20], $0x2800  }
0x29: {  	[sflag:s20] =	ssyncset.done $0x0  }
0x2a: {  	s28 =	simm.s32 $0x2780;
	[sflag:s20] =	ssyncadd.s32 $0xFFFFD800  }
0x2b: {  	[spmem:s3] =	stream.indirect.scatter.add.f32 [tilespmem:s18], [sflag:$0x3], $0x80, s28, s17, $0xb8;
	[tilespmem:$0x1F000] =	vst v63  }
0x2c: {  	_ =	swait.ge [sflag:s12], $0x2800  }
0x2d: {  	[sflag:s12] =	ssyncset.done $0x0  }
0x2e: {  	s28 =	simm.s32 $0xA0;
	[sflag:s12] =	ssyncadd.s32 $0xFFFFD800  }
0x2f: {  	[tilespmem:s18], [sflag:$0x1] =	stream.indirect.gather [hbm4b:s1+s17], $0x80, s28, s17, $0xb8;
	[tilespmem:$0x1F000] =	vst v63  }
0x30: {  	_ =	swait.ge [sflag:s21], $0x2800  }
0x31: {  	[sflag:s21] =	ssyncset.done $0x0  }
0x32: {  	s28 =	simm.s32 $0x2800;
	[sflag:s21] =	ssyncadd.s32 $0xFFFFD800  }
0x33: {  	[spmem:s3] =	stream.indirect.scatter.add.f32 [tilespmem:s19], [sflag:$0x3], $0x80, s28, s17, $0xb8;
	[tilespmem:$0x1F000] =	vst v63  }
0x34: {  	_ =	swait.ge [sflag:s12], $0x2800  }
0x35: {  	s29 =	simm.s32 $0x400;
	[sflag:s12] =	ssyncset.done $0x0  }
0x36: {  	s30 =	simm.s32 $0x190;
	s28 =	simm.s32 $0xF0;
	[sflag:s12] =	ssyncadd.s32 $0xFFFFD800  }
.LBB2_2:
0x37: {  	[tilespmem:s19], [sflag:$0x2] =	stream.indirect.gather [hbm4b:s1+s17], $0x80, s28, s17, $0xb8;
	[tilespmem:$0x1F000] =	vst v63  }
0x38: {  	s31 =	smov.u32 s29;
	s28 =	smov.u32 s30  }
0x39: {  	p1 =	sne.s32 s29, $0xF000;
	s29 =	sadd.s32 $0x400, s29;
	_ =	swait.ge [sflag:s20], $0x2800  }
0x3a: {  	s31 =	sshra.s32 s31, $0x2;
	[sflag:s20] =	ssyncset.done $0x0  }
0x3b: {  	s2 =	sadd.s32 $0x2780, s31;
	[sflag:s20] =	ssyncadd.s32 $0xFFFFD800  }
0x3c: {  	[spmem:s3] =	stream.indirect.scatter.add.f32 [tilespmem:s18], [sflag:$0x3], $0x80, s2, s17, $0xb8;
	[tilespmem:$0x1F000] =	vst v63  }
0x3d: {  	_ =	swait.ge [sflag:s12], $0x2800  }
0x3e: {  	[sflag:s12] =	ssyncset.done $0x0  }
0x3f: {  	s2 =	sadd.s32 $0xFFFFFFB0, s30;
	[sflag:s12] =	ssyncadd.s32 $0xFFFFD800  }
0x40: {  	[tilespmem:s18], [sflag:$0x1] =	stream.indirect.gather [hbm4b:s1+s17], $0x80, s2, s17, $0xb8;
	[tilespmem:$0x1F000] =	vst v63  }
0x41: {  	_ =	swait.ge [sflag:s21], $0x2800  }
0x42: {  	[sflag:s21] =	ssyncset.done $0x0  }
.Ltmp0:
0x43: {  	s2 =	sadd.s32 $0x2800, s31;
	[sflag:s21] =	ssyncadd.s32 $0xFFFFD800;
	(pc) =	sbr.rel @p1 .LBB2_2-.Ltmp0, $4  }
0x44: {  	[spmem:s3] =	stream.indirect.scatter.add.f32 [tilespmem:s19], [sflag:$0x3], $0x80, s2, s17, $0xb8;
	[tilespmem:$0x1F000] =	vst v63  }
0x45: {  	_ =	swait.ge [sflag:s12], $0x2800  }
0x46: {  	[sflag:s12] =	ssyncset.done $0x0  }
0x47: {  	s30 =	sadd.s32 $0xA0, s30;
	[sflag:s12] =	ssyncadd.s32 $0xFFFFD800  }
0x48: {  	[tilespmem:s19], [sflag:$0x2] =	stream.indirect.gather [hbm4b:s1+s17], $0x80, s28, s17, $0xb8;
	[tilespmem:$0x1F000] =	vst v63  }
0x49: {  	_ =	swait.ge [sflag:s20], $0x2800  }
0x4a: {  	[sflag:s20] =	ssyncset.done $0x0  }
0x4b: {  	[sflag:s20] =	ssyncadd.s32 $0xFFFFD800  }
0x4c: {  	[spmem:s3] =	stream.indirect.scatter.add.f32 [tilespmem:s18], [sflag:$0x3], $0x80, s22, s17, $0xb8;
	[tilespmem:$0x1F000] =	vst v63  }
0x4d: {  	_ =	swait.ge [sflag:s12], $0x2800  }
0x4e: {  	[sflag:s12] =	ssyncset.done $0x0  }
0x4f: {  	[sflag:s12] =	ssyncadd.s32 $0xFFFFD800  }
0x50: {  	[tilespmem:s18], [sflag:$0x1] =	stream.indirect.gather [hbm4b:s1+s17], $0x80, s23, s17, $0xb8;
	[tilespmem:$0x1F000] =	vst v63  }
0x51: {  	_ =	swait.ge [sflag:s21], $0x2800  }
0x52: {  	[sflag:s21] =	ssyncset.done $0x0  }
0x53: {  	[sflag:s21] =	ssyncadd.s32 $0xFFFFD800  }
0x54: {  	[spmem:s3] =	stream.indirect.scatter.add.f32 [tilespmem:s19], [sflag:$0x3], $0x80, s24, s17, $0xb8;
	[tilespmem:$0x1F000] =	vst v63  }
0x55: {  	_ =	swait.ge [sflag:s12], $0x2800  }
0x56: {  	[sflag:s12] =	ssyncset.done $0x0  }
0x57: {  	[sflag:s12] =	ssyncadd.s32 $0xFFFFD800  }
0x58: {  	_ =	swait.ge [sflag:s20], $0x2800  }
0x59: {  	[sflag:s20] =	ssyncset.done $0x0  }
0x5a: {  	[sflag:s20] =	ssyncadd.s32 $0xFFFFD800  }
0x5b: {  	[spmem:s3] =	stream.indirect.scatter.add.f32 [tilespmem:s18], [sflag:$0x3], $0x80, s25, s17, $0xb8;
	[tilespmem:$0x1F000] =	vst v63  }
0x5c: {  	_ =	swait.ge [sflag:s12], $0x2800  }
0x5d: {  	[sflag:s12] =	ssyncset.done $0x0  }
0x5e: {  	[sflag:s12] =	ssyncadd.s32 $0xFFFFD800  }
0x5f: {  	[bflag:$0x0] =	sbarrier.arrive $0xFFFF  }
0x60: {  	[hbm:s9], [sflag:s14] =	dma.local [spmem:s15], $0x2700  }
0x61: {  	s26 =	sadd.s32 $0x1, s26;
	_ =	swait.ge [sflag:s12], $0x2700  }
0x62: {  	p1 =	sne.s32 s26, s11;
	[sflag:s12] =	ssyncset.done $0x0  }
.Ltmp1:
0x63: {  	s2 =	simm.s32 @!p0 $0x3;
	[sflag:s12] =	ssyncadd.s32 $0xFFFFD900;
	(pc) =	sbr.rel @p1 .LBB2_1-.Ltmp1, $4  }
0x64: {  	[hbm:s10], [sflag:s14] =	dma.local @!p0 [spmem:s16], $0x100  }
0x65: {  	_ =	swait.ge @!p0 [sflag:s2], $0x100  }
0x66: {  	[sflag:s2] =	ssyncset.done @!p0 $0x0  }
0x67: {  	[sflag:s2] =	ssyncadd.s32 @!p0 $0xFFFFFF00  }
0x68: {  	_ =	sfence.sel $0x180000  }
0x69: {  	[bflag:$0x0] =	sbarrier.arrive $0xFFFF  }
0x6a: {  	_ =	strace $0x9000004A  }
0x6b: {  	[bflag:$0x2] =	sbarrier.arrive $0xFFFF  }
0x6c: {  	p0 =	sne.s32 s0, $0x0;
	s0 =	rddreg [dreg:$0x3]  }
0x6d: {  	s0 =	sadd.s32 @!p0 $0x100000, s0  }
0x6e: {  	[sflag:s0] =	ssyncadd.tile.s32 @!p0 $0x1;
	_ =	shalt  }
.Lfunc_end2:
_tile_overlayer_lowered:
.L_overlay_start_2:
0x6f: {  	(tag) =	ssettag $0x2  }
0x70: {  	s0 =	rddreg [dreg:$0x0];
	s2 =	stileid.u32  }
0x71: {  	s1 =	rddreg [dreg:$0x1];
	p0 =	sne.s32 s2, $0x0  }
0x72: {  	s3 =	rddreg [dreg:$0x2];
	[bflag:$0x3] =	sbarrier.arrive $0xFFFF;
	s2 =	simm.s32 @!p0 $0x1C03  }
0x73: {  	[timem:s3], [sflag:s2] =	dma.local @!p0 [hbm:s0], s1  }
0x74: {  	s0 =	simm.s32 @!p0 $0x3  }
0x75: {  	_ =	swait.ge @!p0 [sflag:s0], s1  }
0x76: {  	s1 =	ssub.s32 @!p0 $0x0, s1;
	[sflag:s0] =	ssyncset.done @!p0 $0x0  }
0x77: {  	[sflag:s0] =	ssyncadd.s32 @!p0 s1  }
0x78: {  	[bflag:$0x3] =	sbarrier.arrive $0xFFFF  }
0x79: {  	_ =	shalt  }

// kernel: kernel.15.cloned.1.call-start
scs
__scs_entry_jumppad:
0x0: {  	(pc) =	sbr.rel $0x88, $3  }
0x1: {  	(tag) =	ssettag $0x0;
	lr =	simm.s32 $0x1  }
0x2: {  	[smem:$0x3F87] =	sst lr;
	_ =	strace $0xD0000000  }
0x3: {  	_ = 	snop  }
0x4: {  	_ = 	snop  }
0x5: {  	_ = 	snop  }
0x6: {  	_ = 	snop  }
0x7: {  	_ = 	snop  }
__scs_overlays_trampoline_lowered:
0x8: {  	[smem:$0x3F96] =	sst s0  }
0x9: {  	[smem:$0x3F97] =	sst s1  }
0xa: {  	[smem:$0x3F98] =	sst s2  }
0xb: {  	[smem:$0x3F99] =	sst s3  }
0xc: {  	[smem:$0x3F9A] =	sst s4  }
0xd: {  	[smem:$0x3F9B] =	sst s5  }
0xe: {  	[smem:$0x3F9C] =	sst s6  }
0xf: {  	[smem:$0x3F9D] =	sst s7  }
0x10: {  	[smem:$0x3F9E] =	sst s8  }
0x11: {  	[smem:$0x3F9F] =	sst s9;
	s0 =	simm.s32 @!p0 $0x0  }
0x12: {  	s1 =	sld [smem:$0x3F85];
	s0 =	simm.s32 @p0 $0x1  }
0x13: {  	[smem:$0x3FA0] =	sst s0;
	s0 =	simm.s32 @!p1 $0x0  }
0x14: {  	s2 =	sld [smem:$0x3F84];
	s0 =	simm.s32 @p1 $0x1  }
0x15: {  	[smem:$0x3FA1] =	sst s0;
	s0 =	simm.s32 @!p2 $0x0  }
0x16: {  	s3 =	sld [smem:$0x3FDB];
	s0 =	simm.s32 @p2 $0x1  }
0x17: {  	s4 =	simm.s32 $0x1BF5;
	[smem:$0x3FA3] =	sst s0  }
0x18: {  	s0 =	sld [smem:$0x3F86];
	_ =	swait.ge [sflag:s4], $0x0  }
0x19: {  	s7 =	sld [smem:$0x3F87]  }
0x1a: {  	s8 =	sadd.s32 $0xFFFFE003, lr  }
0x1b: {  	s9 =	sadd.s32 $0xFFFFFEF7, lr;
	s5 =	simm.s32 $0xFFFFFFFF;
	p2 =	slt.u32 s8, $0xFFFFF086  }
0x1c: {  	p1 =	slt.u32 s9, $0xF7A;
	s5 =	simm.s32 @!p2 $0x0  }
0x1d: {  	s5 =	simm.s32 @p1 $0x1;
	p0 =	seq.s32 s7, s2  }
0x1e: {  	s7 =	smul.u32 @!p0 $0xF7A, s2;
	p2 =	seq.s32 @!p0 s5, $0x0  }
0x1f: {  	s9 =	smul.u32 $0xF7A, s1;
	s8 =	simm.s32 @!p0 $0x1BF5;
	p2 =	por !p2, p0  }
0x20: {  	[sflag:s8] =	ssyncset.s32 @!p0 $0xFFFFF086;
	s6 =	sadd.s32 @!p0 s3, s7;
	s7 =	simm.s32 @!p0 $0x108  }
0x21: {  	s3 =	sadd.s32 s3, s9;
	s6 =	sadd.s32 @!p0 $0x88, s6;
	s7 =	simm.s32 @p2 $0x1082  }
0x22: {  	[simem:s7], [sflag:s8] =	dma.local @!p0 [hbm:s6], $0xF7A  }
0x23: {  	s9 =	sor.u32 $0xD0000000, s2;
	s6 =	simm.s32 $0x108;
	_ =	swait.ge @!p0 [sflag:s8], $0x0  }
0x24: {  	s3 =	sadd.s32 $0x88, s3;
	s6 =	simm.s32 @!p1 $0x1082;
	[sflag:s4] =	ssyncset.s32 $0xFFFFF086  }
0x25: {  	[simem:s6], [sflag:s4] =	dma.local [hbm:s3], $0xF7A  }
0x26: {  	[smem:$0x3F87] =	sst s1;
	(tag) =	ssettag s2;
	_ =	strace s9  }
0x27: {  	s1 =	sld [smem:$0x3F97]  }
0x28: {  	s2 =	sld [smem:$0x3F98]  }
0x29: {  	s4 =	sld [smem:$0x3F9A]  }
0x2a: {  	p0 =	seq.s32 s5, $0x0;
	s5 =	sld [smem:$0x3F9B]  }
0x2b: {  	s6 =	sld [smem:$0x3F9C]  }
0x2c: {  	s7 =	sld [smem:$0x3F9D]  }
0x2d: {  	s3 =	simm.s32 $0x108;
	s8 =	sld [smem:$0x3F9E]  }
0x2e: {  	s3 =	simm.s32 @!p0 $0x1082;
	s9 =	sld [smem:$0x3F9F]  }
0x2f: {  	lr =	sadd.s32 s0, s3;
	s0 =	sld [smem:$0x3F96]  }
0x30: {  	s3 =	sld [smem:$0x3F99]  }
0x31: {  	[smem:$0x3FA2] =	sst s10  }
0x32: {  	s10 =	sld [smem:$0x3FA0];
	_ =	sdelay $0x3  }
0x33: {  	p0 =	seq.s32 s10, $0x1;
	s10 =	sld [smem:$0x3FA2];
	_ =	sdelay $0x3  }
0x34: {  	[smem:$0x3FA2] =	sst s10  }
0x35: {  	s10 =	sld [smem:$0x3FA1];
	_ =	sdelay $0x3  }
0x36: {  	p1 =	seq.s32 s10, $0x1;
	s10 =	sld [smem:$0x3FA2];
	_ =	sdelay $0x3  }
0x37: {  	[smem:$0x3FA2] =	sst s10  }
0x38: {  	s10 =	sld [smem:$0x3FA3]  }
0x39: {  	_ = 	snop;
	(pc) =	sbr.ind lr, $3  }
0x3a: {  	_ = 	snop  }
0x3b: {  	_ = 	snop  }
0x3c: {  	p2 =	seq.s32 s10, $0x1;
	s10 =	sld [smem:$0x3FA2]  }
0x3d: {  	_ =	shalt  }
0x3e: {  	_ =	shalt  }
0x3f: {  	_ =	shalt  }
0x40: {  	_ =	shalt  }
0x41: {  	_ =	shalt  }
0x42: {  	_ =	shalt  }
0x43: {  	_ =	shalt  }
0x44: {  	_ =	shalt  }
0x45: {  	_ =	shalt  }
0x46: {  	_ =	shalt  }
0x47: {  	_ =	shalt  }
0x48: {  	_ =	shalt  }
0x49: {  	_ =	shalt  }
0x4a: {  	_ =	shalt  }
0x4b: {  	_ =	shalt  }
0x4c: {  	_ =	shalt  }
0x4d: {  	_ =	shalt  }
0x4e: {  	_ =	shalt  }
0x4f: {  	_ =	shalt  }
0x50: {  	_ =	shalt  }
0x51: {  	_ =	shalt  }
0x52: {  	_ =	shalt  }
0x53: {  	_ =	shalt  }
0x54: {  	_ =	shalt  }
0x55: {  	_ =	shalt  }
0x56: {  	_ =	shalt  }
0x57: {  	_ =	shalt  }
0x58: {  	_ =	shalt  }
0x59: {  	_ =	shalt  }
0x5a: {  	_ =	shalt  }
0x5b: {  	_ =	shalt  }
0x5c: {  	_ =	shalt  }
0x5d: {  	_ =	shalt  }
0x5e: {  	_ =	shalt  }
0x5f: {  	_ =	shalt  }
0x60: {  	_ =	shalt  }
0x61: {  	_ =	shalt  }
0x62: {  	_ =	shalt  }
0x63: {  	_ =	shalt  }
0x64: {  	_ =	shalt  }
0x65: {  	_ =	shalt  }
0x66: {  	_ =	shalt  }
0x67: {  	_ =	shalt  }
0x68: {  	_ =	shalt  }
0x69: {  	_ =	shalt  }
0x6a: {  	_ =	shalt  }
0x6b: {  	_ =	shalt  }
0x6c: {  	_ =	shalt  }
0x6d: {  	_ =	shalt  }
0x6e: {  	_ =	shalt  }
0x6f: {  	_ =	shalt  }
0x70: {  	_ =	shalt  }
0x71: {  	_ =	shalt  }
0x72: {  	_ =	shalt  }
0x73: {  	_ =	shalt  }
0x74: {  	_ =	shalt  }
0x75: {  	_ =	shalt  }
0x76: {  	_ =	shalt  }
0x77: {  	_ =	shalt  }
0x78: {  	_ =	shalt  }
0x79: {  	_ =	shalt  }
0x7a: {  	_ =	shalt  }
0x7b: {  	_ =	shalt  }
0x7c: {  	_ =	shalt  }
0x7d: {  	_ =	shalt  }
0x7e: {  	_ =	shalt  }
0x7f: {  	_ =	shalt  }
0x80: {  	_ =	shalt  }
0x81: {  	_ =	shalt  }
0x82: {  	_ =	shalt  }
0x83: {  	_ =	shalt  }
0x84: {  	_ =	shalt  }
0x85: {  	_ =	shalt  }
0x86: {  	_ =	shalt  }
0x87: {  	_ =	shalt  }
.Lfunc_end0:
.L_simem_size_0:
called_computation.2_lowered:
.L_overlay_start_0:
0x88: {  	s2 =	sld [smem:$0x3FD9]  }
0x89: {  	s3 =	sld [smem:$0x3FFE];
	_ =	sdelay $0x1  }
0x8a: {  	s1 =	srdreg.scid  }
0x8b: {  	s0 =	sand.u32 $0x1, s1  }
0x8c: {  	s17 =	sshll.u32 s0, $0xA;
	s2 =	sadd.s32 s3, s2  }
0x8d: {  	s2 =	sadd.s32 s2, s17  }
0x8e: {  	[smem:$0x3FAE] =	sst s2  }
0x8f: {  	_ = 	snop  }
0x90: {  	s2 =	sld [smem:$0x3FD0];
	(tm) =	ssettm $0x1  }
0x91: {  	s18 =	sld [smem:$0x3FFB];
	_ =	sdelay $0x3  }
0x92: {  	_ =	strace s18  }
0x93: {  	s3 =	sld [smem:$0x3FFC];
	_ =	sdelay $0x3  }
0x94: {  	_ =	strace s3  }
0x95: {  	s3 =	sld [smem:$0x3FFD];
	_ =	sdelay $0x3  }
0x96: {  	_ =	strace s3  }
0x97: {  	_ =	strace $0x8FFFFFFF  }
0x98: {  	s19 =	sld [smem:$0x3FDB];
	_ =	sdelay $0x1  }
0x99: {  	s4 =	simm.s32 $_scs_section_size  }
0x9a: {  	s5 =	simm.s32 $_size__tile_overlayer_lowered;
	s6 =	simm.s32 $_tile_overlayer_lowered  }
0x9b: {  	s22 =	simm.s32 $0x1BFF;
	s21 =	sshll.u32 s6, $0x1;
	s3 =	sadd.s32 s4, s19  }
0x9c: {  	s7 =	simm.s32 $0x0;
	s20 =	sshll.u32 s5, $0x1;
	s5 =	sadd.s32 s21, s3  }
0x9d: {  	[timem:s7], [sflag:s22] =	dma.local [hbm:s5], s20  }
0x9e: {  	_ =	swait.ge [sflag:s22], s20  }
0x9f: {  	s4 =	ssub.s32 $0x0, s20;
	[sflag:s22] =	ssyncset.done $0x0  }
0xa0: {  	[sflag:s22] =	ssyncadd.s32 s4;
	_ =	sdelay $0x1  }
0xa1: {  	s23 =	simm.s32 $0x1B8B  }
0xa2: {  	_ =	swait.ge [sflag:s23], $0x1  }
0xa3: {  	[sflag:s23] =	ssyncset.done $0x0  }
0xa4: {  	s25 =	simm.s32 $0x1B8E;
	s24 =	sld [smem:$0x3FFE];
	[sflag:s23] =	ssyncadd.s32 $0xFFFFFFFF  }
0xa5: {  	s26 =	simm.s32 $execute0_lowered;
	[smem:$0x3FD2] =	sst s25  }
0xa6: {  	s5 =	sshll.u32 s26, $0x1;
	_ =	strace $0x8000004C;
	[dreg:$0x1] =	wrdreg $0xFFFFFFFF  }
0xa7: {  	s28 =	simm.s32 $_size_execute0_lowered;
	s3 =	sadd.s32 s3, s5;
	[dreg:$0x0] =	wrdreg $0x0  }
0xa8: {  	s5 =	sshll.u32 s28, $0x1;
	[dreg:$0x2] =	wrdreg s3  }
0xa9: {  	[dreg:$0x3] =	wrdreg s5  }
0xaa: {  	[dreg:$0x4] =	wrdreg $0xC0  }
0xab: {  	_ =	task [dreg:s7], $0x5FFFF  }
0xac: {  	[dreg:$0x1] =	wrdreg $0xFFFFFFFF  }
0xad: {  	[dreg:$0x0] =	wrdreg $0x60  }
0xae: {  	[dreg:$0x2] =	wrdreg s2  }
0xaf: {  	[dreg:$0x3] =	wrdreg s24  }
0xb0: {  	[dreg:$0x4] =	wrdreg $0xB7800  }
0xb1: {  	[dreg:$0x5] =	wrdreg $0x9  }
0xb2: {  	_ =	task.clear_ibuf [dreg:s7], $0x6FFFF;
	_ =	strace $0x9000004C  }
0xb3: {  	s29 =	simm.s32 $0x9;
	_ =	strace $0x8000004E  }
0xb4: {  	_ =	swait.ge [sflag:s29], $0x1  }
0xb5: {  	[sflag:s29] =	ssyncadd.s32 $0xFFFFFFFF  }
0xb6: {  	_ =	strace $0x9000004E  }
0xb7: {  	_ =	sfence  }
0xb8: {  	s30 =	sld [smem:$0x0];
	_ =	sdelay $0x2  }
0xb9: {  	s31 =	sshll.u32 s1, $0xD;
	s1 =	sshrl.u32 s1, $0x2  }
0xba: {  	s3 =	sand.u32 $0x4000, s31;
	s1 =	sadd.s32 s1, s30  }
0xbb: {  	s0 =	sor.u32 s3, s0;
	s1 =	sshll.u32 s1, $0x11  }
0xbc: {  	s0 =	sor.u32 s1, s0  }
0xbd: {  	s0 =	sadd.s32 $0x8F2B, s0  }
0xbe: {  	[sflag:s0] =	ssyncadd.remote.s32 $0x1  }
0xbf: {  	_ =	sfence.sel $0xFFFF  }
0xc0: {  	[dreg:$0x0] =	wrdreg $0xFFFFFFFF;
	(pc) =	sbr.abs _section_cstart, $3  }
0xc1: {  	[dreg:$0x1] =	wrdreg $0xFFFFFFFF  }
0xc2: {  	_ =	task.clear_ibuf [dreg:s7], $0x2FFFF;
	_ =	strace $0x9FFFFFFF  }
0xc3: {  	(tm) =	ssettm $0x7FFFFFFF  }
tec
execute0_lowered:
.L_overlay_start_1:
0x0: {  	(tag) =	ssettag $0x1  }
0x1: {  	s1 =	rddreg [dreg:$0x0]  }
0x2: {  	s8 =	rddreg [dreg:$0x1]  }
0x3: {  	s0 =	srdreg.scid;
	s3 =	rddreg [dreg:$0x2];
	s4 =	simm.s32 $0x0  }
0x4: {  	s17 =	simm.s32 $0x50;
	s18 =	simm.s32 $0x6780;
	s19 =	simm.s32 $0x8F80  }
0x5: {  	s20 =	simm.s32 $0x1;
	s21 =	simm.s32 $0x2;
	s22 =	simm.s32 $0x6480  }
0x6: {  	s23 =	simm.s32 $0x26C0;
	s24 =	simm.s32 $0x6500;
	s25 =	simm.s32 $0x6580  }
0x7: {  	s6 =	sand.u32 $0x1, s0;
	s0 =	stileid.u32;
	[smem:$0x7FF] =	sst s4  }
0x8: {  	s14 =	sadd.s32 $0x2B400, s8;
	s16 =	sadd.s32 $0x138000, s3;
	s11 =	smul.u32 $0x4E000, s0  }
0x9: {  	s2 =	sshll.u32 s6, $0x4;
	_ =	strace $0x8000004D;
	s13 =	smul.u32 $0x138800, s6  }
0xa: {  	s10 =	ssub.s32 $0x2, s6;
	s26 =	smul.u32 $0x13800, s0;
	p0 =	sne.s32 s0, $0xF  }
0xb: {  	s31 =	sshll.u32 s0, $0x6;
	s5 =	sor.u32 s0, s2;
	s12 =	sshrl.u32 s10, $0x1  }
0xc: {  	s16 =	sshrl.u32 @!p0 s16, $0x3;
	s7 =	smul.u32 $0x4E2, s5;
	s5 =	sshll.u32 s5, $0xB  }
0xd: {  	s12 =	ssub.s32 s10, s12;
	s28 =	sshrl.u32 s11, $0x2;
	s29 =	sadd.s32 s26, s13  }
0xe: {  	s30 =	sshrl.u32 s13, $0x3;
	s13 =	simm.s32 $0x2780;
	s26 =	simm.s32 $0x0  }
0xf: {  	s9 =	sadd.s32 s5, s8;
	s5 =	sadd.s32 $0x28C00, s8;
	s15 =	sadd.s32 s28, s3  }
0x10: {  	s10 =	sadd.s32 s14, s30;
	s11 =	smax.u32 s12, $0x1;
	s12 =	simm.s32 $0x3  }
0x11: {  	s7 =	sadd.s32 s7, s8;
	s8 =	sadd.s32 $0x2B300, s8;
	s10 =	sadd.s32 $0x27000, s10  }
0x12: {  	s6 =	sadd.s32 $0x5200, s7;
	s7 =	sadd.s32 $0x18C00, s9;
	s9 =	sshrl.u32 s29, $0x3  }
0x13: {  	s15 =	sshrl.u32 s15, $0x3;
	s9 =	sadd.s32 s14, s9;
	s14 =	sor.u32 $0x1C03, s31  }
.LBB2_1:
0x14: {  	[tilespmem:s4], [sflag:$0x3] =	stream.linear.gather [hbm4b:s6+s4], $0x2710, $0x38;
	[tilespmem:$0x1F000] =	vst v63  }
0x15: {  	_ =	swait.ge [sflag:s12], $0x2710  }
0x16: {  	[sflag:s12] =	ssyncset.done $0x0  }
0x17: {  	[sflag:s12] =	ssyncadd.s32 $0xFFFFD8F0  }
0x18: {  	[tilespmem:s13], [sflag:$0x3] =	stream.linear.gather [hbm4b:s7+s4], $0x3E80, $0x38;
	[tilespmem:$0x1F000] =	vst v63  }
0x19: {  	_ =	swait.ge [sflag:s12], $0x3E80  }
0x1a: {  	[sflag:s12] =	ssyncset.done $0x0  }
0x1b: {  	[sflag:s12] =	ssyncadd.s32 $0xFFFFC180  }
0x1c: {  	[spmem:s15], [sflag:s14] =	dma.local [hbm:s5], $0x2700  }
0x1d: {  	_ =	swait.ge [sflag:s12], $0x2700  }
0x1e: {  	[sflag:s12] =	ssyncset.done $0x0  }
0x1f: {  	s28 =	simm.s32 @!p0 $0x3;
	[sflag:s12] =	ssyncadd.s32 $0xFFFFD900  }
0x20: {  	[spmem:s16], [sflag:s14] =	dma.local @!p0 [hbm:s8], $0x100  }
0x21: {  	_ =	swait.ge @!p0 [sflag:s28], $0x100  }
0x22: {  	[sflag:s28] =	ssyncset.done @!p0 $0x0  }
0x23: {  	[sflag:s28] =	ssyncadd.s32 @!p0 $0xFFFFFF00  }
0x24: {  	[bflag:$0x0] =	sbarrier.arrive $0xFFFF  }
0x25: {  	[tilespmem:s18], [sflag:$0x1] =	stream.indirect.gather [hbm4b:s1+s17], $0x80, s4, s17, $0xb8;
	[tilespmem:$0x1F000] =	vst v63  }
0x26: {  	_ = 	snop  }
0x27: {  	[tilespmem:s19], [sflag:$0x2] =	stream.indirect.gather [hbm4b:s1+s17], $0x80, s17, s17, $0xb8;
	[tilespmem:$0x1F000] =	vst v63  }
0x28: {  	_ =	swait.ge [sflag:s20], $0x2800  }
0x29: {  	[sflag:s20] =	ssyncset.done $0x0  }
0x2a: {  	s28 =	simm.s32 $0x2780;
	[sflag:s20] =	ssyncadd.s32 $0xFFFFD800  }
0x2b: {  	[spmem:s3] =	stream.indirect.scatter.add.f32 [tilespmem:s18], [sflag:$0x3], $0x80, s28, s17, $0xb8;
	[tilespmem:$0x1F000] =	vst v63  }
0x2c: {  	_ =	swait.ge [sflag:s12], $0x2800  }
0x2d: {  	[sflag:s12] =	ssyncset.done $0x0  }
0x2e: {  	s28 =	simm.s32 $0xA0;
	[sflag:s12] =	ssyncadd.s32 $0xFFFFD800  }
0x2f: {  	[tilespmem:s18], [sflag:$0x1] =	stream.indirect.gather [hbm4b:s1+s17], $0x80, s28, s17, $0xb8;
	[tilespmem:$0x1F000] =	vst v63  }
0x30: {  	_ =	swait.ge [sflag:s21], $0x2800  }
0x31: {  	[sflag:s21] =	ssyncset.done $0x0  }
0x32: {  	s28 =	simm.s32 $0x2800;
	[sflag:s21] =	ssyncadd.s32 $0xFFFFD800  }
0x33: {  	[spmem:s3] =	stream.indirect.scatter.add.f32 [tilespmem:s19], [sflag:$0x3], $0x80, s28, s17, $0xb8;
	[tilespmem:$0x1F000] =	vst v63  }
0x34: {  	_ =	swait.ge [sflag:s12], $0x2800  }
0x35: {  	s29 =	simm.s32 $0x400;
	[sflag:s12] =	ssyncset.done $0x0  }
0x36: {  	s30 =	simm.s32 $0x190;
	s28 =	simm.s32 $0xF0;
	[sflag:s12] =	ssyncadd.s32 $0xFFFFD800  }
.LBB2_2:
0x37: {  	[tilespmem:s19], [sflag:$0x2] =	stream.indirect.gather [hbm4b:s1+s17], $0x80, s28, s17, $0xb8;
	[tilespmem:$0x1F000] =	vst v63  }
0x38: {  	s31 =	smov.u32 s29;
	s28 =	smov.u32 s30  }
0x39: {  	p1 =	sne.s32 s29, $0xF000;
	s29 =	sadd.s32 $0x400, s29;
	_ =	swait.ge [sflag:s20], $0x2800  }
0x3a: {  	s31 =	sshra.s32 s31, $0x2;
	[sflag:s20] =	ssyncset.done $0x0  }
0x3b: {  	s2 =	sadd.s32 $0x2780, s31;
	[sflag:s20] =	ssyncadd.s32 $0xFFFFD800  }
0x3c: {  	[spmem:s3] =	stream.indirect.scatter.add.f32 [tilespmem:s18], [sflag:$0x3], $0x80, s2, s17, $0xb8;
	[tilespmem:$0x1F000] =	vst v63  }
0x3d: {  	_ =	swait.ge [sflag:s12], $0x2800  }
0x3e: {  	[sflag:s12] =	ssyncset.done $0x0  }
0x3f: {  	s2 =	sadd.s32 $0xFFFFFFB0, s30;
	[sflag:s12] =	ssyncadd.s32 $0xFFFFD800  }
0x40: {  	[tilespmem:s18], [sflag:$0x1] =	stream.indirect.gather [hbm4b:s1+s17], $0x80, s2, s17, $0xb8;
	[tilespmem:$0x1F000] =	vst v63  }
0x41: {  	_ =	swait.ge [sflag:s21], $0x2800  }
0x42: {  	[sflag:s21] =	ssyncset.done $0x0  }
.Ltmp0:
0x43: {  	s2 =	sadd.s32 $0x2800, s31;
	[sflag:s21] =	ssyncadd.s32 $0xFFFFD800;
	(pc) =	sbr.rel @p1 .LBB2_2-.Ltmp0, $4  }
0x44: {  	[spmem:s3] =	stream.indirect.scatter.add.f32 [tilespmem:s19], [sflag:$0x3], $0x80, s2, s17, $0xb8;
	[tilespmem:$0x1F000] =	vst v63  }
0x45: {  	_ =	swait.ge [sflag:s12], $0x2800  }
0x46: {  	[sflag:s12] =	ssyncset.done $0x0  }
0x47: {  	s30 =	sadd.s32 $0xA0, s30;
	[sflag:s12] =	ssyncadd.s32 $0xFFFFD800  }
0x48: {  	[tilespmem:s19], [sflag:$0x2] =	stream.indirect.gather [hbm4b:s1+s17], $0x80, s28, s17, $0xb8;
	[tilespmem:$0x1F000] =	vst v63  }
0x49: {  	_ =	swait.ge [sflag:s20], $0x2800  }
0x4a: {  	[sflag:s20] =	ssyncset.done $0x0  }
0x4b: {  	[sflag:s20] =	ssyncadd.s32 $0xFFFFD800  }
0x4c: {  	[spmem:s3] =	stream.indirect.scatter.add.f32 [tilespmem:s18], [sflag:$0x3], $0x80, s22, s17, $0xb8;
	[tilespmem:$0x1F000] =	vst v63  }
0x4d: {  	_ =	swait.ge [sflag:s12], $0x2800  }
0x4e: {  	[sflag:s12] =	ssyncset.done $0x0  }
0x4f: {  	[sflag:s12] =	ssyncadd.s32 $0xFFFFD800  }
0x50: {  	[tilespmem:s18], [sflag:$0x1] =	stream.indirect.gather [hbm4b:s1+s17], $0x80, s23, s17, $0xb8;
	[tilespmem:$0x1F000] =	vst v63  }
0x51: {  	_ =	swait.ge [sflag:s21], $0x2800  }
0x52: {  	[sflag:s21] =	ssyncset.done $0x0  }
0x53: {  	[sflag:s21] =	ssyncadd.s32 $0xFFFFD800  }
0x54: {  	[spmem:s3] =	stream.indirect.scatter.add.f32 [tilespmem:s19], [sflag:$0x3], $0x80, s24, s17, $0xb8;
	[tilespmem:$0x1F000] =	vst v63  }
0x55: {  	_ =	swait.ge [sflag:s12], $0x2800  }
0x56: {  	[sflag:s12] =	ssyncset.done $0x0  }
0x57: {  	[sflag:s12] =	ssyncadd.s32 $0xFFFFD800  }
0x58: {  	_ =	swait.ge [sflag:s20], $0x2800  }
0x59: {  	[sflag:s20] =	ssyncset.done $0x0  }
0x5a: {  	[sflag:s20] =	ssyncadd.s32 $0xFFFFD800  }
0x5b: {  	[spmem:s3] =	stream.indirect.scatter.add.f32 [tilespmem:s18], [sflag:$0x3], $0x80, s25, s17, $0xb8;
	[tilespmem:$0x1F000] =	vst v63  }
0x5c: {  	_ =	swait.ge [sflag:s12], $0x2800  }
0x5d: {  	[sflag:s12] =	ssyncset.done $0x0  }
0x5e: {  	[sflag:s12] =	ssyncadd.s32 $0xFFFFD800  }
0x5f: {  	[bflag:$0x0] =	sbarrier.arrive $0xFFFF  }
0x60: {  	[hbm:s9], [sflag:s14] =	dma.local [spmem:s15], $0x2700  }
0x61: {  	s26 =	sadd.s32 $0x1, s26;
	_ =	swait.ge [sflag:s12], $0x2700  }
0x62: {  	p1 =	sne.s32 s26, s11;
	[sflag:s12] =	ssyncset.done $0x0  }
.Ltmp1:
0x63: {  	s2 =	simm.s32 @!p0 $0x3;
	[sflag:s12] =	ssyncadd.s32 $0xFFFFD900;
	(pc) =	sbr.rel @p1 .LBB2_1-.Ltmp1, $4  }
0x64: {  	[hbm:s10], [sflag:s14] =	dma.local @!p0 [spmem:s16], $0x100  }
0x65: {  	_ =	swait.ge @!p0 [sflag:s2], $0x100  }
0x66: {  	[sflag:s2] =	ssyncset.done @!p0 $0x0  }
0x67: {  	[sflag:s2] =	ssyncadd.s32 @!p0 $0xFFFFFF00  }
0x68: {  	_ =	sfence.sel $0x180000  }
0x69: {  	[bflag:$0x0] =	sbarrier.arrive $0xFFFF  }
0x6a: {  	_ =	strace $0x9000004D  }
0x6b: {  	[bflag:$0x2] =	sbarrier.arrive $0xFFFF  }
0x6c: {  	p0 =	sne.s32 s0, $0x0;
	s0 =	rddreg [dreg:$0x3]  }
0x6d: {  	s0 =	sadd.s32 @!p0 $0x100000, s0  }
0x6e: {  	[sflag:s0] =	ssyncadd.tile.s32 @!p0 $0x1;
	_ =	shalt  }
.Lfunc_end2:
_tile_overlayer_lowered:
.L_overlay_start_2:
0x6f: {  	(tag) =	ssettag $0x2  }
0x70: {  	s0 =	rddreg [dreg:$0x0];
	s2 =	stileid.u32  }
0x71: {  	s1 =	rddreg [dreg:$0x1];
	p0 =	sne.s32 s2, $0x0  }
0x72: {  	s3 =	rddreg [dreg:$0x2];
	[bflag:$0x3] =	sbarrier.arrive $0xFFFF;
	s2 =	simm.s32 @!p0 $0x1C03  }
0x73: {  	[timem:s3], [sflag:s2] =	dma.local @!p0 [hbm:s0], s1  }
0x74: {  	s0 =	simm.s32 @!p0 $0x3  }
0x75: {  	_ =	swait.ge @!p0 [sflag:s0], s1  }
0x76: {  	s1 =	ssub.s32 @!p0 $0x0, s1;
	[sflag:s0] =	ssyncset.done @!p0 $0x0  }
0x77: {  	[sflag:s0] =	ssyncadd.s32 @!p0 s1  }
0x78: {  	[bflag:$0x3] =	sbarrier.arrive $0xFFFF  }
0x79: {  	_ =	shalt  }

// kernel: kernel.9.cloned.1.call-start
scs
__scs_entry_jumppad:
0x0: {  	(pc) =	sbr.rel $0x88, $3  }
0x1: {  	(tag) =	ssettag $0x0;
	lr =	simm.s32 $0x1  }
0x2: {  	[smem:$0x3F87] =	sst lr;
	_ =	strace $0xD0000000  }
0x3: {  	_ = 	snop  }
0x4: {  	_ = 	snop  }
0x5: {  	_ = 	snop  }
0x6: {  	_ = 	snop  }
0x7: {  	_ = 	snop  }
__scs_overlays_trampoline_lowered:
0x8: {  	[smem:$0x3F96] =	sst s0  }
0x9: {  	[smem:$0x3F97] =	sst s1  }
0xa: {  	[smem:$0x3F98] =	sst s2  }
0xb: {  	[smem:$0x3F99] =	sst s3  }
0xc: {  	[smem:$0x3F9A] =	sst s4  }
0xd: {  	[smem:$0x3F9B] =	sst s5  }
0xe: {  	[smem:$0x3F9C] =	sst s6  }
0xf: {  	[smem:$0x3F9D] =	sst s7  }
0x10: {  	[smem:$0x3F9E] =	sst s8  }
0x11: {  	[smem:$0x3F9F] =	sst s9;
	s0 =	simm.s32 @!p0 $0x0  }
0x12: {  	s1 =	sld [smem:$0x3F85];
	s0 =	simm.s32 @p0 $0x1  }
0x13: {  	[smem:$0x3FA0] =	sst s0;
	s0 =	simm.s32 @!p1 $0x0  }
0x14: {  	s2 =	sld [smem:$0x3F84];
	s0 =	simm.s32 @p1 $0x1  }
0x15: {  	[smem:$0x3FA1] =	sst s0;
	s0 =	simm.s32 @!p2 $0x0  }
0x16: {  	s3 =	sld [smem:$0x3FDB];
	s0 =	simm.s32 @p2 $0x1  }
0x17: {  	s4 =	simm.s32 $0x1BF5;
	[smem:$0x3FA3] =	sst s0  }
0x18: {  	s0 =	sld [smem:$0x3F86];
	_ =	swait.ge [sflag:s4], $0x0  }
0x19: {  	s7 =	sld [smem:$0x3F87]  }
0x1a: {  	s8 =	sadd.s32 $0xFFFFE003, lr  }
0x1b: {  	s9 =	sadd.s32 $0xFFFFFEF7, lr;
	s5 =	simm.s32 $0xFFFFFFFF;
	p2 =	slt.u32 s8, $0xFFFFF086  }
0x1c: {  	p1 =	slt.u32 s9, $0xF7A;
	s5 =	simm.s32 @!p2 $0x0  }
0x1d: {  	s5 =	simm.s32 @p1 $0x1;
	p0 =	seq.s32 s7, s2  }
0x1e: {  	s7 =	smul.u32 @!p0 $0xF7A, s2;
	p2 =	seq.s32 @!p0 s5, $0x0  }
0x1f: {  	s9 =	smul.u32 $0xF7A, s1;
	s8 =	simm.s32 @!p0 $0x1BF5;
	p2 =	por !p2, p0  }
0x20: {  	[sflag:s8] =	ssyncset.s32 @!p0 $0xFFFFF086;
	s6 =	sadd.s32 @!p0 s3, s7;
	s7 =	simm.s32 @!p0 $0x108  }
0x21: {  	s3 =	sadd.s32 s3, s9;
	s6 =	sadd.s32 @!p0 $0x88, s6;
	s7 =	simm.s32 @p2 $0x1082  }
0x22: {  	[simem:s7], [sflag:s8] =	dma.local @!p0 [hbm:s6], $0xF7A  }
0x23: {  	s9 =	sor.u32 $0xD0000000, s2;
	s6 =	simm.s32 $0x108;
	_ =	swait.ge @!p0 [sflag:s8], $0x0  }
0x24: {  	s3 =	sadd.s32 $0x88, s3;
	s6 =	simm.s32 @!p1 $0x1082;
	[sflag:s4] =	ssyncset.s32 $0xFFFFF086  }
0x25: {  	[simem:s6], [sflag:s4] =	dma.local [hbm:s3], $0xF7A  }
0x26: {  	[smem:$0x3F87] =	sst s1;
	(tag) =	ssettag s2;
	_ =	strace s9  }
0x27: {  	s1 =	sld [smem:$0x3F97]  }
0x28: {  	s2 =	sld [smem:$0x3F98]  }
0x29: {  	s4 =	sld [smem:$0x3F9A]  }
0x2a: {  	p0 =	seq.s32 s5, $0x0;
	s5 =	sld [smem:$0x3F9B]  }
0x2b: {  	s6 =	sld [smem:$0x3F9C]  }
0x2c: {  	s7 =	sld [smem:$0x3F9D]  }
0x2d: {  	s3 =	simm.s32 $0x108;
	s8 =	sld [smem:$0x3F9E]  }
0x2e: {  	s3 =	simm.s32 @!p0 $0x1082;
	s9 =	sld [smem:$0x3F9F]  }
0x2f: {  	lr =	sadd.s32 s0, s3;
	s0 =	sld [smem:$0x3F96]  }
0x30: {  	s3 =	sld [smem:$0x3F99]  }
0x31: {  	[smem:$0x3FA2] =	sst s10  }
0x32: {  	s10 =	sld [smem:$0x3FA0];
	_ =	sdelay $0x3  }
0x33: {  	p0 =	seq.s32 s10, $0x1;
	s10 =	sld [smem:$0x3FA2];
	_ =	sdelay $0x3  }
0x34: {  	[smem:$0x3FA2] =	sst s10  }
0x35: {  	s10 =	sld [smem:$0x3FA1];
	_ =	sdelay $0x3  }
0x36: {  	p1 =	seq.s32 s10, $0x1;
	s10 =	sld [smem:$0x3FA2];
	_ =	sdelay $0x3  }
0x37: {  	[smem:$0x3FA2] =	sst s10  }
0x38: {  	s10 =	sld [smem:$0x3FA3]  }
0x39: {  	_ = 	snop;
	(pc) =	sbr.ind lr, $3  }
0x3a: {  	_ = 	snop  }
0x3b: {  	_ = 	snop  }
0x3c: {  	p2 =	seq.s32 s10, $0x1;
	s10 =	sld [smem:$0x3FA2]  }
0x3d: {  	_ =	shalt  }
0x3e: {  	_ =	shalt  }
0x3f: {  	_ =	shalt  }
0x40: {  	_ =	shalt  }
0x41: {  	_ =	shalt  }
0x42: {  	_ =	shalt  }
0x43: {  	_ =	shalt  }
0x44: {  	_ =	shalt  }
0x45: {  	_ =	shalt  }
0x46: {  	_ =	shalt  }
0x47: {  	_ =	shalt  }
0x48: {  	_ =	shalt  }
0x49: {  	_ =	shalt  }
0x4a: {  	_ =	shalt  }
0x4b: {  	_ =	shalt  }
0x4c: {  	_ =	shalt  }
0x4d: {  	_ =	shalt  }
0x4e: {  	_ =	shalt  }
0x4f: {  	_ =	shalt  }
0x50: {  	_ =	shalt  }
0x51: {  	_ =	shalt  }
0x52: {  	_ =	shalt  }
0x53: {  	_ =	shalt  }
0x54: {  	_ =	shalt  }
0x55: {  	_ =	shalt  }
0x56: {  	_ =	shalt  }
0x57: {  	_ =	shalt  }
0x58: {  	_ =	shalt  }
0x59: {  	_ =	shalt  }
0x5a: {  	_ =	shalt  }
0x5b: {  	_ =	shalt  }
0x5c: {  	_ =	shalt  }
0x5d: {  	_ =	shalt  }
0x5e: {  	_ =	shalt  }
0x5f: {  	_ =	shalt  }
0x60: {  	_ =	shalt  }
0x61: {  	_ =	shalt  }
0x62: {  	_ =	shalt  }
0x63: {  	_ =	shalt  }
0x64: {  	_ =	shalt  }
0x65: {  	_ =	shalt  }
0x66: {  	_ =	shalt  }
0x67: {  	_ =	shalt  }
0x68: {  	_ =	shalt  }
0x69: {  	_ =	shalt  }
0x6a: {  	_ =	shalt  }
0x6b: {  	_ =	shalt  }
0x6c: {  	_ =	shalt  }
0x6d: {  	_ =	shalt  }
0x6e: {  	_ =	shalt  }
0x6f: {  	_ =	shalt  }
0x70: {  	_ =	shalt  }
0x71: {  	_ =	shalt  }
0x72: {  	_ =	shalt  }
0x73: {  	_ =	shalt  }
0x74: {  	_ =	shalt  }
0x75: {  	_ =	shalt  }
0x76: {  	_ =	shalt  }
0x77: {  	_ =	shalt  }
0x78: {  	_ =	shalt  }
0x79: {  	_ =	shalt  }
0x7a: {  	_ =	shalt  }
0x7b: {  	_ =	shalt  }
0x7c: {  	_ =	shalt  }
0x7d: {  	_ =	shalt  }
0x7e: {  	_ =	shalt  }
0x7f: {  	_ =	shalt  }
0x80: {  	_ =	shalt  }
0x81: {  	_ =	shalt  }
0x82: {  	_ =	shalt  }
0x83: {  	_ =	shalt  }
0x84: {  	_ =	shalt  }
0x85: {  	_ =	shalt  }
0x86: {  	_ =	shalt  }
0x87: {  	_ =	shalt  }
.Lfunc_end0:
.L_simem_size_0:
called_computation_lowered:
.L_overlay_start_0:
0x88: {  	s2 =	sld [smem:$0x3FD9]  }
0x89: {  	s3 =	sld [smem:$0x3FFE];
	_ =	sdelay $0x1  }
0x8a: {  	s1 =	srdreg.scid  }
0x8b: {  	s0 =	sand.u32 $0x1, s1  }
0x8c: {  	s17 =	sshll.u32 s0, $0xA;
	s2 =	sadd.s32 s3, s2  }
0x8d: {  	s2 =	sadd.s32 s2, s17  }
0x8e: {  	[smem:$0x3FAE] =	sst s2  }
0x8f: {  	_ = 	snop  }
0x90: {  	s2 =	sld [smem:$0x3FD0];
	(tm) =	ssettm $0x1  }
0x91: {  	s18 =	sld [smem:$0x3FFB];
	_ =	sdelay $0x3  }
0x92: {  	_ =	strace s18  }
0x93: {  	s3 =	sld [smem:$0x3FFC];
	_ =	sdelay $0x3  }
0x94: {  	_ =	strace s3  }
0x95: {  	s3 =	sld [smem:$0x3FFD];
	_ =	sdelay $0x3  }
0x96: {  	_ =	strace s3  }
0x97: {  	_ =	strace $0x8FFFFFFF  }
0x98: {  	s19 =	sld [smem:$0x3FDB];
	_ =	sdelay $0x1  }
0x99: {  	s4 =	simm.s32 $_scs_section_size  }
0x9a: {  	s5 =	simm.s32 $_size__tile_overlayer_lowered;
	s6 =	simm.s32 $_tile_overlayer_lowered  }
0x9b: {  	s22 =	simm.s32 $0x1BFF;
	s21 =	sshll.u32 s6, $0x1;
	s3 =	sadd.s32 s4, s19  }
0x9c: {  	s7 =	simm.s32 $0x0;
	s20 =	sshll.u32 s5, $0x1;
	s5 =	sadd.s32 s21, s3  }
0x9d: {  	[timem:s7], [sflag:s22] =	dma.local [hbm:s5], s20  }
0x9e: {  	_ =	swait.ge [sflag:s22], s20  }
0x9f: {  	s4 =	ssub.s32 $0x0, s20;
	[sflag:s22] =	ssyncset.done $0x0  }
0xa0: {  	[sflag:s22] =	ssyncadd.s32 s4;
	_ =	sdelay $0x1  }
0xa1: {  	s23 =	simm.s32 $0x1B8B  }
0xa2: {  	_ =	swait.ge [sflag:s23], $0x1  }
0xa3: {  	[sflag:s23] =	ssyncset.done $0x0  }
0xa4: {  	s25 =	simm.s32 $0x1B8E;
	s24 =	sld [smem:$0x3FFE];
	[sflag:s23] =	ssyncadd.s32 $0xFFFFFFFF  }
0xa5: {  	s26 =	simm.s32 $execute0_lowered;
	[smem:$0x3FD2] =	sst s25  }
0xa6: {  	s5 =	sshll.u32 s26, $0x1;
	_ =	strace $0x80000046;
	[dreg:$0x1] =	wrdreg $0xFFFFFFFF  }
0xa7: {  	s28 =	simm.s32 $_size_execute0_lowered;
	s3 =	sadd.s32 s3, s5;
	[dreg:$0x0] =	wrdreg $0x0  }
0xa8: {  	s5 =	sshll.u32 s28, $0x1;
	[dreg:$0x2] =	wrdreg s3  }
0xa9: {  	[dreg:$0x3] =	wrdreg s5  }
0xaa: {  	[dreg:$0x4] =	wrdreg $0xC0  }
0xab: {  	_ =	task [dreg:s7], $0x5FFFF  }
0xac: {  	[dreg:$0x1] =	wrdreg $0xFFFFFFFF  }
0xad: {  	[dreg:$0x0] =	wrdreg $0x60  }
0xae: {  	[dreg:$0x2] =	wrdreg s2  }
0xaf: {  	[dreg:$0x3] =	wrdreg s24  }
0xb0: {  	[dreg:$0x4] =	wrdreg $0xB7800  }
0xb1: {  	[dreg:$0x5] =	wrdreg $0x9  }
0xb2: {  	_ =	task.clear_ibuf [dreg:s7], $0x6FFFF;
	_ =	strace $0x90000046  }
0xb3: {  	s29 =	simm.s32 $0x9;
	_ =	strace $0x80000048  }
0xb4: {  	_ =	swait.ge [sflag:s29], $0x1  }
0xb5: {  	[sflag:s29] =	ssyncadd.s32 $0xFFFFFFFF  }
0xb6: {  	_ =	strace $0x90000048  }
0xb7: {  	_ =	sfence  }
0xb8: {  	s30 =	sld [smem:$0x0];
	_ =	sdelay $0x2  }
0xb9: {  	s31 =	sshll.u32 s1, $0xD;
	s1 =	sshrl.u32 s1, $0x2  }
0xba: {  	s3 =	sand.u32 $0x4000, s31;
	s1 =	sadd.s32 s1, s30  }
0xbb: {  	s0 =	sor.u32 s3, s0;
	s1 =	sshll.u32 s1, $0x11  }
0xbc: {  	s0 =	sor.u32 s1, s0  }
0xbd: {  	s0 =	sadd.s32 $0x8F2B, s0  }
0xbe: {  	[sflag:s0] =	ssyncadd.remote.s32 $0x1  }
0xbf: {  	_ =	sfence.sel $0xFFFF  }
0xc0: {  	[dreg:$0x0] =	wrdreg $0xFFFFFFFF;
	(pc) =	sbr.abs _section_cstart, $3  }
0xc1: {  	[dreg:$0x1] =	wrdreg $0xFFFFFFFF  }
0xc2: {  	_ =	task.clear_ibuf [dreg:s7], $0x2FFFF;
	_ =	strace $0x9FFFFFFF  }
0xc3: {  	(tm) =	ssettm $0x7FFFFFFF  }
tec
execute0_lowered:
.L_overlay_start_1:
0x0: {  	(tag) =	ssettag $0x1  }
0x1: {  	s1 =	rddreg [dreg:$0x0]  }
0x2: {  	s8 =	rddreg [dreg:$0x1]  }
0x3: {  	s0 =	srdreg.scid;
	s3 =	rddreg [dreg:$0x2];
	s4 =	simm.s32 $0x0  }
0x4: {  	s17 =	simm.s32 $0x50;
	s18 =	simm.s32 $0x6780;
	s19 =	simm.s32 $0x8F80  }
0x5: {  	s20 =	simm.s32 $0x1;
	s21 =	simm.s32 $0x2;
	s22 =	simm.s32 $0x6480  }
0x6: {  	s23 =	simm.s32 $0x26C0;
	s24 =	simm.s32 $0x6500;
	s25 =	simm.s32 $0x6580  }
0x7: {  	s6 =	sand.u32 $0x1, s0;
	s0 =	stileid.u32;
	[smem:$0x7FF] =	sst s4  }
0x8: {  	s14 =	sadd.s32 $0x2B400, s8;
	s16 =	sadd.s32 $0x138000, s3;
	s11 =	smul.u32 $0x4E000, s0  }
0x9: {  	s2 =	sshll.u32 s6, $0x4;
	_ =	strace $0x80000047;
	s13 =	smul.u32 $0x138800, s6  }
0xa: {  	s10 =	ssub.s32 $0x2, s6;
	s26 =	smul.u32 $0x13800, s0;
	p0 =	sne.s32 s0, $0xF  }
0xb: {  	s31 =	sshll.u32 s0, $0x6;
	s5 =	sor.u32 s0, s2;
	s12 =	sshrl.u32 s10, $0x1  }
0xc: {  	s16 =	sshrl.u32 @!p0 s16, $0x3;
	s7 =	smul.u32 $0x4E2, s5;
	s5 =	sshll.u32 s5, $0xB  }
0xd: {  	s12 =	ssub.s32 s10, s12;
	s28 =	sshrl.u32 s11, $0x2;
	s29 =	sadd.s32 s26, s13  }
0xe: {  	s30 =	sshrl.u32 s13, $0x3;
	s13 =	simm.s32 $0x2780;
	s26 =	simm.s32 $0x0  }
0xf: {  	s9 =	sadd.s32 s5, s8;
	s5 =	sadd.s32 $0x28C00, s8;
	s15 =	sadd.s32 s28, s3  }
0x10: {  	s10 =	sadd.s32 s14, s30;
	s11 =	smax.u32 s12, $0x1;
	s12 =	simm.s32 $0x3  }
0x11: {  	s7 =	sadd.s32 s7, s8;
	s8 =	sadd.s32 $0x2B300, s8;
	s10 =	sadd.s32 $0x27000, s10  }
0x12: {  	s6 =	sadd.s32 $0x5200, s7;
	s7 =	sadd.s32 $0x18C00, s9;
	s9 =	sshrl.u32 s29, $0x3  }
0x13: {  	s15 =	sshrl.u32 s15, $0x3;
	s9 =	sadd.s32 s14, s9;
	s14 =	sor.u32 $0x1C03, s31  }
.LBB2_1:
0x14: {  	[tilespmem:s4], [sflag:$0x3] =	stream.linear.gather [hbm4b:s6+s4], $0x2710, $0x38;
	[tilespmem:$0x1F000] =	vst v63  }
0x15: {  	_ =	swait.ge [sflag:s12], $0x2710  }
0x16: {  	[sflag:s12] =	ssyncset.done $0x0  }
0x17: {  	[sflag:s12] =	ssyncadd.s32 $0xFFFFD8F0  }
0x18: {  	[tilespmem:s13], [sflag:$0x3] =	stream.linear.gather [hbm4b:s7+s4], $0x3E80, $0x38;
	[tilespmem:$0x1F000] =	vst v63  }
0x19: {  	_ =	swait.ge [sflag:s12], $0x3E80  }
0x1a: {  	[sflag:s12] =	ssyncset.done $0x0  }
0x1b: {  	[sflag:s12] =	ssyncadd.s32 $0xFFFFC180  }
0x1c: {  	[spmem:s15], [sflag:s14] =	dma.local [hbm:s5], $0x2700  }
0x1d: {  	_ =	swait.ge [sflag:s12], $0x2700  }
0x1e: {  	[sflag:s12] =	ssyncset.done $0x0  }
0x1f: {  	s28 =	simm.s32 @!p0 $0x3;
	[sflag:s12] =	ssyncadd.s32 $0xFFFFD900  }
0x20: {  	[spmem:s16], [sflag:s14] =	dma.local @!p0 [hbm:s8], $0x100  }
0x21: {  	_ =	swait.ge @!p0 [sflag:s28], $0x100  }
0x22: {  	[sflag:s28] =	ssyncset.done @!p0 $0x0  }
0x23: {  	[sflag:s28] =	ssyncadd.s32 @!p0 $0xFFFFFF00  }
0x24: {  	[bflag:$0x0] =	sbarrier.arrive $0xFFFF  }
0x25: {  	[tilespmem:s18], [sflag:$0x1] =	stream.indirect.gather [hbm4b:s1+s17], $0x80, s4, s17, $0xb8;
	[tilespmem:$0x1F000] =	vst v63  }
0x26: {  	_ = 	snop  }
0x27: {  	[tilespmem:s19], [sflag:$0x2] =	stream.indirect.gather [hbm4b:s1+s17], $0x80, s17, s17, $0xb8;
	[tilespmem:$0x1F000] =	vst v63  }
0x28: {  	_ =	swait.ge [sflag:s20], $0x2800  }
0x29: {  	[sflag:s20] =	ssyncset.done $0x0  }
0x2a: {  	s28 =	simm.s32 $0x2780;
	[sflag:s20] =	ssyncadd.s32 $0xFFFFD800  }
0x2b: {  	[spmem:s3] =	stream.indirect.scatter.add.f32 [tilespmem:s18], [sflag:$0x3], $0x80, s28, s17, $0xb8;
	[tilespmem:$0x1F000] =	vst v63  }
0x2c: {  	_ =	swait.ge [sflag:s12], $0x2800  }
0x2d: {  	[sflag:s12] =	ssyncset.done $0x0  }
0x2e: {  	s28 =	simm.s32 $0xA0;
	[sflag:s12] =	ssyncadd.s32 $0xFFFFD800  }
0x2f: {  	[tilespmem:s18], [sflag:$0x1] =	stream.indirect.gather [hbm4b:s1+s17], $0x80, s28, s17, $0xb8;
	[tilespmem:$0x1F000] =	vst v63  }
0x30: {  	_ =	swait.ge [sflag:s21], $0x2800  }
0x31: {  	[sflag:s21] =	ssyncset.done $0x0  }
0x32: {  	s28 =	simm.s32 $0x2800;
	[sflag:s21] =	ssyncadd.s32 $0xFFFFD800  }
0x33: {  	[spmem:s3] =	stream.indirect.scatter.add.f32 [tilespmem:s19], [sflag:$0x3], $0x80, s28, s17, $0xb8;
	[tilespmem:$0x1F000] =	vst v63  }
0x34: {  	_ =	swait.ge [sflag:s12], $0x2800  }
0x35: {  	s29 =	simm.s32 $0x400;
	[sflag:s12] =	ssyncset.done $0x0  }
0x36: {  	s30 =	simm.s32 $0x190;
	s28 =	simm.s32 $0xF0;
	[sflag:s12] =	ssyncadd.s32 $0xFFFFD800  }
.LBB2_2:
0x37: {  	[tilespmem:s19], [sflag:$0x2] =	stream.indirect.gather [hbm4b:s1+s17], $0x80, s28, s17, $0xb8;
	[tilespmem:$0x1F000] =	vst v63  }
0x38: {  	s31 =	smov.u32 s29;
	s28 =	smov.u32 s30  }
0x39: {  	p1 =	sne.s32 s29, $0xF000;
	s29 =	sadd.s32 $0x400, s29;
	_ =	swait.ge [sflag:s20], $0x2800  }
0x3a: {  	s31 =	sshra.s32 s31, $0x2;
	[sflag:s20] =	ssyncset.done $0x0  }
0x3b: {  	s2 =	sadd.s32 $0x2780, s31;
	[sflag:s20] =	ssyncadd.s32 $0xFFFFD800  }
0x3c: {  	[spmem:s3] =	stream.indirect.scatter.add.f32 [tilespmem:s18], [sflag:$0x3], $0x80, s2, s17, $0xb8;
	[tilespmem:$0x1F000] =	vst v63  }
0x3d: {  	_ =	swait.ge [sflag:s12], $0x2800  }
0x3e: {  	[sflag:s12] =	ssyncset.done $0x0  }
0x3f: {  	s2 =	sadd.s32 $0xFFFFFFB0, s30;
	[sflag:s12] =	ssyncadd.s32 $0xFFFFD800  }
0x40: {  	[tilespmem:s18], [sflag:$0x1] =	stream.indirect.gather [hbm4b:s1+s17], $0x80, s2, s17, $0xb8;
	[tilespmem:$0x1F000] =	vst v63  }
0x41: {  	_ =	swait.ge [sflag:s21], $0x2800  }
0x42: {  	[sflag:s21] =	ssyncset.done $0x0  }
.Ltmp0:
0x43: {  	s2 =	sadd.s32 $0x2800, s31;
	[sflag:s21] =	ssyncadd.s32 $0xFFFFD800;
	(pc) =	sbr.rel @p1 .LBB2_2-.Ltmp0, $4  }
0x44: {  	[spmem:s3] =	stream.indirect.scatter.add.f32 [tilespmem:s19], [sflag:$0x3], $0x80, s2, s17, $0xb8;
	[tilespmem:$0x1F000] =	vst v63  }
0x45: {  	_ =	swait.ge [sflag:s12], $0x2800  }
0x46: {  	[sflag:s12] =	ssyncset.done $0x0  }
0x47: {  	s30 =	sadd.s32 $0xA0, s30;
	[sflag:s12] =	ssyncadd.s32 $0xFFFFD800  }
0x48: {  	[tilespmem:s19], [sflag:$0x2] =	stream.indirect.gather [hbm4b:s1+s17], $0x80, s28, s17, $0xb8;
	[tilespmem:$0x1F000] =	vst v63  }
0x49: {  	_ =	swait.ge [sflag:s20], $0x2800  }
0x4a: {  	[sflag:s20] =	ssyncset.done $0x0  }
0x4b: {  	[sflag:s20] =	ssyncadd.s32 $0xFFFFD800  }
0x4c: {  	[spmem:s3] =	stream.indirect.scatter.add.f32 [tilespmem:s18], [sflag:$0x3], $0x80, s22, s17, $0xb8;
	[tilespmem:$0x1F000] =	vst v63  }
0x4d: {  	_ =	swait.ge [sflag:s12], $0x2800  }
0x4e: {  	[sflag:s12] =	ssyncset.done $0x0  }
0x4f: {  	[sflag:s12] =	ssyncadd.s32 $0xFFFFD800  }
0x50: {  	[tilespmem:s18], [sflag:$0x1] =	stream.indirect.gather [hbm4b:s1+s17], $0x80, s23, s17, $0xb8;
	[tilespmem:$0x1F000] =	vst v63  }
0x51: {  	_ =	swait.ge [sflag:s21], $0x2800  }
0x52: {  	[sflag:s21] =	ssyncset.done $0x0  }
0x53: {  	[sflag:s21] =	ssyncadd.s32 $0xFFFFD800  }
0x54: {  	[spmem:s3] =	stream.indirect.scatter.add.f32 [tilespmem:s19], [sflag:$0x3], $0x80, s24, s17, $0xb8;
	[tilespmem:$0x1F000] =	vst v63  }
0x55: {  	_ =	swait.ge [sflag:s12], $0x2800  }
0x56: {  	[sflag:s12] =	ssyncset.done $0x0  }
0x57: {  	[sflag:s12] =	ssyncadd.s32 $0xFFFFD800  }
0x58: {  	_ =	swait.ge [sflag:s20], $0x2800  }
0x59: {  	[sflag:s20] =	ssyncset.done $0x0  }
0x5a: {  	[sflag:s20] =	ssyncadd.s32 $0xFFFFD800  }
0x5b: {  	[spmem:s3] =	stream.indirect.scatter.add.f32 [tilespmem:s18], [sflag:$0x3], $0x80, s25, s17, $0xb8;
	[tilespmem:$0x1F000] =	vst v63  }
0x5c: {  	_ =	swait.ge [sflag:s12], $0x2800  }
0x5d: {  	[sflag:s12] =	ssyncset.done $0x0  }
0x5e: {  	[sflag:s12] =	ssyncadd.s32 $0xFFFFD800  }
0x5f: {  	[bflag:$0x0] =	sbarrier.arrive $0xFFFF  }
0x60: {  	[hbm:s9], [sflag:s14] =	dma.local [spmem:s15], $0x2700  }
0x61: {  	s26 =	sadd.s32 $0x1, s26;
	_ =	swait.ge [sflag:s12], $0x2700  }
0x62: {  	p1 =	sne.s32 s26, s11;
	[sflag:s12] =	ssyncset.done $0x0  }
.Ltmp1:
0x63: {  	s2 =	simm.s32 @!p0 $0x3;
	[sflag:s12] =	ssyncadd.s32 $0xFFFFD900;
	(pc) =	sbr.rel @p1 .LBB2_1-.Ltmp1, $4  }
0x64: {  	[hbm:s10], [sflag:s14] =	dma.local @!p0 [spmem:s16], $0x100  }
0x65: {  	_ =	swait.ge @!p0 [sflag:s2], $0x100  }
0x66: {  	[sflag:s2] =	ssyncset.done @!p0 $0x0  }
0x67: {  	[sflag:s2] =	ssyncadd.s32 @!p0 $0xFFFFFF00  }
0x68: {  	_ =	sfence.sel $0x180000  }
0x69: {  	[bflag:$0x0] =	sbarrier.arrive $0xFFFF  }
0x6a: {  	_ =	strace $0x90000047  }
0x6b: {  	[bflag:$0x2] =	sbarrier.arrive $0xFFFF  }
0x6c: {  	p0 =	sne.s32 s0, $0x0;
	s0 =	rddreg [dreg:$0x3]  }
0x6d: {  	s0 =	sadd.s32 @!p0 $0x100000, s0  }
0x6e: {  	[sflag:s0] =	ssyncadd.tile.s32 @!p0 $0x1;
	_ =	shalt  }
.Lfunc_end2:
_tile_overlayer_lowered:
.L_overlay_start_2:
0x6f: {  	(tag) =	ssettag $0x2  }
0x70: {  	s0 =	rddreg [dreg:$0x0];
	s2 =	stileid.u32  }
0x71: {  	s1 =	rddreg [dreg:$0x1];
	p0 =	sne.s32 s2, $0x0  }
0x72: {  	s3 =	rddreg [dreg:$0x2];
	[bflag:$0x3] =	sbarrier.arrive $0xFFFF;
	s2 =	simm.s32 @!p0 $0x1C03  }
0x73: {  	[timem:s3], [sflag:s2] =	dma.local @!p0 [hbm:s0], s1  }
0x74: {  	s0 =	simm.s32 @!p0 $0x3  }
0x75: {  	_ =	swait.ge @!p0 [sflag:s0], s1  }
0x76: {  	s1 =	ssub.s32 @!p0 $0x0, s1;
	[sflag:s0] =	ssyncset.done @!p0 $0x0  }
0x77: {  	[sflag:s0] =	ssyncadd.s32 @!p0 s1  }
0x78: {  	[bflag:$0x3] =	sbarrier.arrive $0xFFFF  }
0x79: {  	_ =	shalt  }

</sc_bundles>
